<compile_context>
chip_gen: v7x
topology: tpu7x:2x2x1
jax: 0.10.2.dev20260603
libtpu: 0.0.44.dev20260713+nightly
codegen_flags: <defaults>
</compile_context>

<pallas_src>
import functools

import jax
import jax.numpy as jnp
from jax import lax
from jax.experimental import pallas as pl
from jax.experimental.pallas import tpu as pltpu
from jax.experimental.pallas import tpu_sc as plsc

N = 10000
E = 160000
D = 256
HALF = 128

NSC = 2
NSUB = 16
CHUNK = 128
NCH = 80
NPAIR = NCH // 2
NCHUNKS_PAD = NCH * NSUB
EP = NCHUNKS_PAD * CHUNK
NP = 10240
ROWS_PER_SUB = NP // NSUB
ZCH = ROWS_PER_SUB // CHUNK


def _sc_agg_body(hA, hB, srcp, dstp, zrows, aggA, aggB,
                 sidx0, sidx1, didx_all, rows0, rows1, aggS, sem0, sem1):
    c = lax.axis_index("c")
    s = lax.axis_index("s")

    def run(h_hbm, out_hbm):
        pltpu.sync_copy(dstp.at[pl.ds(s * NCH, NCH)], didx_all)

        pltpu.sync_copy(zrows, rows0)

        def zbody(j, carry):
            r0 = pl.multiple_of((s * ZCH + j) * CHUNK, CHUNK)
            pltpu.sync_copy(rows0, aggS.at[pl.ds(r0, CHUNK)])
            return carry

        lax.fori_loop(0, ZCH, zbody, 0)
        plsc.subcore_barrier()

        pltpu.sync_copy(srcp.at[s * NCH], sidx0)
        pltpu.async_copy(h_hbm.at[sidx0], rows0, sem0)

        def pair(j, carry):
            c0 = 2 * j
            c1 = c0 + 1
            pltpu.sync_copy(srcp.at[s * NCH + c1], sidx1)
            pltpu.async_copy(h_hbm.at[sidx1], rows1, sem1)
            pltpu.make_async_copy(h_hbm.at[sidx0], rows0, sem0).wait()
            pltpu.sync_copy(rows0, aggS.at[didx_all.at[c0]], add=True)

            @pl.when(j < NPAIR - 1)
            def _():
                pltpu.sync_copy(srcp.at[s * NCH + c0 + 2], sidx0)
                pltpu.async_copy(h_hbm.at[sidx0], rows0, sem0)

            pltpu.make_async_copy(h_hbm.at[sidx1], rows1, sem1).wait()
            pltpu.sync_copy(rows1, aggS.at[didx_all.at[c1]], add=True)
            return carry

        lax.fori_loop(0, NPAIR, pair, 0)
        plsc.subcore_barrier()

        r0 = pl.multiple_of(s * ROWS_PER_SUB, ROWS_PER_SUB)
        pltpu.sync_copy(aggS.at[pl.ds(r0, ROWS_PER_SUB)],
                        out_hbm.at[pl.ds(r0, ROWS_PER_SUB)])

    @pl.when(c == 0)
    def _():
        run(hA, aggA)

    @pl.when(c == 1)
    def _():
        run(hB, aggB)


_sc_agg = functools.partial(
    pl.kernel,
    mesh=plsc.VectorSubcoreMesh(core_axis_name="c", subcore_axis_name="s"),
    out_type=[
        jax.ShapeDtypeStruct((NP, HALF), jnp.float32),
        jax.ShapeDtypeStruct((NP, HALF), jnp.float32),
    ],
    scratch_types=[
        pltpu.VMEM((CHUNK,), jnp.int32),
        pltpu.VMEM((CHUNK,), jnp.int32),
        pltpu.VMEM((NCH, CHUNK), jnp.int32),
        pltpu.VMEM((CHUNK, HALF), jnp.float32),
        pltpu.VMEM((CHUNK, HALF), jnp.float32),
        pltpu.VMEM_SHARED((NP, HALF), jnp.float32),
        pltpu.SemaphoreType.DMA,
        pltpu.SemaphoreType.DMA,
    ],
)(_sc_agg_body)


def _mlp1_body(x_ref, aA_ref, aB_ref, W1_ref, b1_ref, W2_ref, b2_ref,
               oA_ref, oB_ref):
    agg = jnp.concatenate([aA_ref[...], aB_ref[...]], axis=1)
    m = x_ref[...] + agg
    t = jnp.dot(m, W1_ref[...], preferred_element_type=jnp.float32) + b1_ref[...]
    t = jnp.maximum(t, 0.0)
    h = jnp.dot(t, W2_ref[...], preferred_element_type=jnp.float32) + b2_ref[...]
    h = jnp.maximum(h, 0.0)
    oA_ref[...] = h[:, :HALF]
    oB_ref[...] = h[:, HALF:]


def _mlp2_body(hA_ref, hB_ref, aA_ref, aB_ref, W1_ref, b1_ref, W2_ref, b2_ref,
               Wp_ref, bp_ref, z_ref):
    m = jnp.concatenate([hA_ref[...] + aA_ref[...], hB_ref[...] + aB_ref[...]],
                        axis=1)
    t = jnp.dot(m, W1_ref[...], preferred_element_type=jnp.float32) + b1_ref[...]
    t = jnp.maximum(t, 0.0)
    h = jnp.dot(t, W2_ref[...], preferred_element_type=jnp.float32) + b2_ref[...]
    h = jnp.maximum(h, 0.0)
    z_ref[...] = jnp.dot(h, Wp_ref[...], preferred_element_type=jnp.float32) + bp_ref[...]


_RB = 1000
_GRID = N // _RB

_row_spec = pl.BlockSpec((_RB, D), lambda i: (i, 0))
_half_spec = pl.BlockSpec((_RB, HALF), lambda i: (i, 0))
_w_spec = pl.BlockSpec((D, D), lambda i: (0, 0))
_b_spec = pl.BlockSpec((1, D), lambda i: (0, 0))

_mlp1 = pl.pallas_call(
    _mlp1_body,
    grid=(_GRID,),
    in_specs=[_row_spec, _half_spec, _half_spec, _w_spec, _b_spec, _w_spec, _b_spec],
    out_specs=[_half_spec, _half_spec],
    out_shape=[
        jax.ShapeDtypeStruct((N, HALF), jnp.float32),
        jax.ShapeDtypeStruct((N, HALF), jnp.float32),
    ],
)

_mlp2 = pl.pallas_call(
    _mlp2_body,
    grid=(_GRID,),
    in_specs=[_half_spec, _half_spec, _half_spec, _half_spec,
              _w_spec, _b_spec, _w_spec, _b_spec, _w_spec, _b_spec],
    out_specs=_row_spec,
    out_shape=jax.ShapeDtypeStruct((N, D), jnp.float32),
)


def kernel(x, edge_index, W1_0, b1_0, W2_0, b2_0, W1_1, b1_1, W2_1, b2_1, Wp, bp):
    src = edge_index[0]
    dst = edge_index[1]
    pad = EP - E
    srcp = jnp.concatenate([src, jnp.zeros((pad,), jnp.int32)]).reshape(
        NCHUNKS_PAD, CHUNK)
    dstp = jnp.concatenate([dst, jnp.full((pad,), NP - 1, jnp.int32)]).reshape(
        NCHUNKS_PAD, CHUNK)
    zrows = jnp.zeros((CHUNK, HALF), jnp.float32)

    xA = x[:, :HALF]
    xB = x[:, HALF:]
    b1_0r = b1_0.reshape(1, D)
    b2_0r = b2_0.reshape(1, D)
    b1_1r = b1_1.reshape(1, D)
    b2_1r = b2_1.reshape(1, D)
    bpr = bp.reshape(1, D)

    a1A, a1B = _sc_agg(xA, xB, srcp, dstp, zrows)
    h1A, h1B = _mlp1(x, a1A, a1B, W1_0, b1_0r, W2_0, b2_0r)
    a2A, a2B = _sc_agg(h1A, h1B, srcp, dstp, zrows)
    z = _mlp2(h1A, h1B, a2A, a2B, W1_1, b1_1r, W2_1, b2_1r, Wp, bpr)
    return z

# --- scband reference (transcript-rebuilt; emitter-appended) ---
"""Pipeline reference for scband-ginencoder-86328842650108 (READ-ONLY COPY).

The authoritative reference and input builder live on the scoring server;
editing this copy changes nothing except your own understanding.
"""

import jax, jax.numpy as jnp
import numpy as np

N = 10000
E = 160000
D = 256
H = 256
O = 256


def setup_inputs(seed: int = 0) -> dict:
    key = jax.random.key(seed)
    ks = jax.random.split(key, 14)
    x = jax.random.normal(ks[0], (N, D), dtype=jnp.float32)
    edge_index = jax.random.randint(ks[1], (2, E), 0, N, dtype=jnp.int32)
    def lin(k, fan_in, fan_out):
        kw, kb = jax.random.split(k)
        s = 1.0 / np.sqrt(fan_in)
        W = jax.random.uniform(kw, (fan_in, fan_out), minval=-s, maxval=s, dtype=jnp.float32)
        b = jax.random.uniform(kb, (fan_out,), minval=-s, maxval=s, dtype=jnp.float32)
        return W, b
    W1_0, b1_0 = lin(ks[2], D, H)
    W2_0, b2_0 = lin(ks[3], H, H)
    W1_1, b1_1 = lin(ks[4], H, H)
    W2_1, b2_1 = lin(ks[5], H, H)
    Wp, bp = lin(ks[6], H, O)
    return {"x": x, "edge_index": edge_index,
            "W1_0": W1_0, "b1_0": b1_0, "W2_0": W2_0, "b2_0": b2_0,
            "W1_1": W1_1, "b1_1": b1_1, "W2_1": W2_1, "b2_1": b2_1,
            "Wp": Wp, "bp": bp}


def _gin_conv(h, edge_index, W1, b1, W2, b2, eps=0.0):
    src = edge_index[0]
    dst = edge_index[1]
    msgs = jnp.take(h, src, axis=0)
    agg = jax.ops.segment_sum(msgs, dst, num_segments=N)
    m = (1.0 + eps) * h + agg
    m = jax.nn.relu(m @ W1 + b1)
    m = m @ W2 + b2
    return m


def reference(x, edge_index, W1_0, b1_0, W2_0, b2_0, W1_1, b1_1, W2_1, b2_1, Wp, bp):
    h = x
    h = _gin_conv(h, edge_index, W1_0, b1_0, W2_0, b2_0)
    h = jax.nn.relu(h)
    h = _gin_conv(h, edge_index, W1_1, b1_1, W2_1, b2_1)
    h = jax.nn.relu(h)
    z = h @ Wp + bp
    return z

if __name__ == "__main__":
    import jax
    _d = setup_inputs()
    print(jax.jit(kernel)(*tuple(_d.values())))

</pallas_src>

<mosaic_0001>
#map = affine_map<(d0, d1) -> (0, 0)>
module attributes {stable_mosaic.version = 14 : i64} {
  func.func @_sc_agg_body(%arg0: i32, %arg1: i32, %arg2: memref<10000x128xf32, #tpu.memory_space<hbm>>, %arg3: memref<10000x128xf32, #tpu.memory_space<hbm>>, %arg4: memref<1280x128xi32, #tpu.memory_space<hbm>>, %arg5: memref<1280x128xi32, #tpu.memory_space<hbm>>, %arg6: memref<128x128xf32, #tpu.memory_space<hbm>>, %arg7: memref<10240x128xf32, #tpu.memory_space<hbm>>, %arg8: memref<10240x128xf32, #tpu.memory_space<hbm>>, %arg9: memref<128xi32, #tpu.memory_space<vmem>>, %arg10: memref<128xi32, #tpu.memory_space<vmem>>, %arg11: memref<80x128xi32, #tpu.memory_space<vmem>>, %arg12: memref<128x128xf32, #tpu.memory_space<vmem>>, %arg13: memref<128x128xf32, #tpu.memory_space<vmem>>, %arg14: memref<10240x128xf32, #tpu.memory_space<vmem_shared>>, %arg15: memref<!tpu.dma_semaphore, #tpu.memory_space<semaphore_mem>>, %arg16: memref<!tpu.dma_semaphore, #tpu.memory_space<semaphore_mem>>) attributes {dimension_semantics = [#tpu.dimension_semantics<core_parallel>, #tpu.dimension_semantics<subcore_parallel>], iteration_bounds = array<i64: 2, 16>, scalar_prefetch = 0 : i64, scratch_operands = 8 : i64, tpu.core_type = #tpu.core_type<sc_vector_subcore>, window_params = [{transform_indices = #map}, {transform_indices = #map}, {transform_indices = #map}, {transform_indices = #map}, {transform_indices = #map}, {transform_indices = #map}, {transform_indices = #map}]} {
    %eq3A = arith.constant 0 : i32
    %eq3A_0 = arith.cmpi eq, %arg0, %eq3A : i32
    %convert_element_type3A = arith.extui %eq3A_0 : i1 to i32
    %cond3A = arith.constant 0 : i32
    %cond3A_1 = arith.cmpi ne, %convert_element_type3A, %cond3A : i32
    scf.if %cond3A_1 {
      %mul3A = arith.constant 80 : i32
      %mul3A_7 = arith.muli %arg1, %mul3A : i32
      "tpu.region"() ({
        %run_scoped3A = tpu.sem_alloc : memref<!tpu.dma_semaphore, #tpu.memory_space<semaphore_mem>>
        %dma_start3A_26 = arith.constant 0 : i32
        %dma_start3A_27 = tpu.memref_slice %arg5[%mul3A_7, %dma_start3A_26] : memref<1280x128xi32, #tpu.memory_space<hbm>> -> memref<80x128xi32, #tpu.memory_space<hbm>>
        %dma_start3A_28 = arith.constant 0 : i32
        %dma_start3A_29 = tpu.memref_slice %arg5[%mul3A_7, %dma_start3A_28] : memref<1280x128xi32, #tpu.memory_space<hbm>> -> memref<80x128xi32, #tpu.memory_space<hbm>>
        tpu.enqueue_dma source(%dma_start3A_29 : memref<80x128xi32, #tpu.memory_space<hbm>>) target(%arg11 : memref<80x128xi32, #tpu.memory_space<vmem>>) target_semaphore(%run_scoped3A : memref<!tpu.dma_semaphore, #tpu.memory_space<semaphore_mem>>)
        %dma_wait3A = arith.constant 0 : i32
        %dma_wait3A_30 = tpu.memref_slice %arg5[%mul3A_7, %dma_wait3A] : memref<1280x128xi32, #tpu.memory_space<hbm>> -> memref<80x128xi32, #tpu.memory_space<hbm>>
        %dma_wait3A_31 = arith.constant 0 : i32
        %dma_wait3A_32 = tpu.memref_slice %arg5[%mul3A_7, %dma_wait3A_31] : memref<1280x128xi32, #tpu.memory_space<hbm>> -> memref<80x128xi32, #tpu.memory_space<hbm>>
        tpu.wait_dma2 semaphore(%run_scoped3A : memref<!tpu.dma_semaphore, #tpu.memory_space<semaphore_mem>>) src(%dma_wait3A_32 : memref<80x128xi32, #tpu.memory_space<hbm>>) dst(%arg11 : memref<80x128xi32, #tpu.memory_space<vmem>>)
        tpu.yield
      }) : () -> ()
      "tpu.region"() ({
        %run_scoped3A = tpu.sem_alloc : memref<!tpu.dma_semaphore, #tpu.memory_space<semaphore_mem>>
        tpu.enqueue_dma source(%arg6 : memref<128x128xf32, #tpu.memory_space<hbm>>) target(%arg12 : memref<128x128xf32, #tpu.memory_space<vmem>>) target_semaphore(%run_scoped3A : memref<!tpu.dma_semaphore, #tpu.memory_space<semaphore_mem>>)
        tpu.wait_dma2 semaphore(%run_scoped3A : memref<!tpu.dma_semaphore, #tpu.memory_space<semaphore_mem>>) src(%arg6 : memref<128x128xf32, #tpu.memory_space<hbm>>) dst(%arg12 : memref<128x128xf32, #tpu.memory_space<vmem>>)
        tpu.yield
      }) : () -> ()
      %scan3A = arith.constant 0 : i32
      %scan3A_8 = arith.constant 0 : i32
      %scan3A_9 = arith.constant 5 : i32
      %scan3A_10 = arith.addi %scan3A_8, %scan3A_9 : i32
      %scan3A_11 = arith.constant 1 : i32
      scf.for %scan3A_26 = %scan3A_8 to %scan3A_10 step %scan3A_11  : i32 {
        %mul3A_27 = arith.constant 5 : i32
        %mul3A_28 = arith.muli %arg1, %mul3A_27 : i32
        %add3A = arith.addi %mul3A_28, %scan3A_26 : i32
        %mul3A_29 = arith.constant 128 : i32
        %mul3A_30 = arith.muli %add3A, %mul3A_29 : i32
        %multiple_of3A_31 = tpu.assume_multiple %mul3A_30, 128 : i32
        "tpu.region"() ({
          %run_scoped3A = tpu.sem_alloc : memref<!tpu.dma_semaphore, #tpu.memory_space<semaphore_mem>>
          %dma_start3A_32 = arith.constant 0 : i32
          %dma_start3A_33 = tpu.memref_slice %arg14[%multiple_of3A_31, %dma_start3A_32] : memref<10240x128xf32, #tpu.memory_space<vmem_shared>> -> memref<128x128xf32, #tpu.memory_space<vmem_shared>>
          %dma_start3A_34 = arith.constant 0 : i32
          %dma_start3A_35 = tpu.memref_slice %arg14[%multiple_of3A_31, %dma_start3A_34] : memref<10240x128xf32, #tpu.memory_space<vmem_shared>> -> memref<128x128xf32, #tpu.memory_space<vmem_shared>>
          tpu.enqueue_dma source(%arg12 : memref<128x128xf32, #tpu.memory_space<vmem>>) target(%dma_start3A_35 : memref<128x128xf32, #tpu.memory_space<vmem_shared>>) target_semaphore(%run_scoped3A : memref<!tpu.dma_semaphore, #tpu.memory_space<semaphore_mem>>)
          %dma_wait3A = arith.constant 0 : i32
          %dma_wait3A_36 = tpu.memref_slice %arg14[%multiple_of3A_31, %dma_wait3A] : memref<10240x128xf32, #tpu.memory_space<vmem_shared>> -> memref<128x128xf32, #tpu.memory_space<vmem_shared>>
          %dma_wait3A_37 = arith.constant 0 : i32
          %dma_wait3A_38 = tpu.memref_slice %arg14[%multiple_of3A_31, %dma_wait3A_37] : memref<10240x128xf32, #tpu.memory_space<vmem_shared>> -> memref<128x128xf32, #tpu.memory_space<vmem_shared>>
          tpu.wait_dma2 semaphore(%run_scoped3A : memref<!tpu.dma_semaphore, #tpu.memory_space<semaphore_mem>>) src(%arg12 : memref<128x128xf32, #tpu.memory_space<vmem>>) dst(%dma_wait3A_38 : memref<128x128xf32, #tpu.memory_space<vmem_shared>>)
          tpu.yield
        }) : () -> ()
      }
      %scan3A_12 = arith.constant 5 : i32
      %barrier3A = arith.constant 0 : index
      tpu.barrier barrier_id(%barrier3A)
      %mul3A_13 = arith.constant 80 : i32
      %mul3A_14 = arith.muli %arg1, %mul3A_13 : i32
      "tpu.region"() ({
        %run_scoped3A = tpu.sem_alloc : memref<!tpu.dma_semaphore, #tpu.memory_space<semaphore_mem>>
        %dma_start3A_26 = arith.constant 0 : i32
        %dma_start3A_27 = tpu.memref_slice %arg4[%mul3A_14, %dma_start3A_26] : memref<1280x128xi32, #tpu.memory_space<hbm>> -> memref<1x128xi32, #tpu.memory_space<hbm>>
        %dma_start3A_28 = tpu.memref_squeeze %dma_start3A_27 : memref<1x128xi32, #tpu.memory_space<hbm>> -> memref<128xi32, #tpu.memory_space<hbm>>
        %dma_start3A_29 = arith.constant 0 : i32
        %dma_start3A_30 = tpu.memref_slice %arg4[%mul3A_14, %dma_start3A_29] : memref<1280x128xi32, #tpu.memory_space<hbm>> -> memref<1x128xi32, #tpu.memory_space<hbm>>
        %dma_start3A_31 = tpu.memref_squeeze %dma_start3A_30 : memref<1x128xi32, #tpu.memory_space<hbm>> -> memref<128xi32, #tpu.memory_space<hbm>>
        tpu.enqueue_dma source(%dma_start3A_31 : memref<128xi32, #tpu.memory_space<hbm>>) target(%arg9 : memref<128xi32, #tpu.memory_space<vmem>>) target_semaphore(%run_scoped3A : memref<!tpu.dma_semaphore, #tpu.memory_space<semaphore_mem>>)
        %dma_wait3A = arith.constant 0 : i32
        %dma_wait3A_32 = tpu.memref_slice %arg4[%mul3A_14, %dma_wait3A] : memref<1280x128xi32, #tpu.memory_space<hbm>> -> memref<1x128xi32, #tpu.memory_space<hbm>>
        %dma_wait3A_33 = tpu.memref_squeeze %dma_wait3A_32 : memref<1x128xi32, #tpu.memory_space<hbm>> -> memref<128xi32, #tpu.memory_space<hbm>>
        %dma_wait3A_34 = arith.constant 0 : i32
        %dma_wait3A_35 = tpu.memref_slice %arg4[%mul3A_14, %dma_wait3A_34] : memref<1280x128xi32, #tpu.memory_space<hbm>> -> memref<1x128xi32, #tpu.memory_space<hbm>>
        %dma_wait3A_36 = tpu.memref_squeeze %dma_wait3A_35 : memref<1x128xi32, #tpu.memory_space<hbm>> -> memref<128xi32, #tpu.memory_space<hbm>>
        tpu.wait_dma2 semaphore(%run_scoped3A : memref<!tpu.dma_semaphore, #tpu.memory_space<semaphore_mem>>) src(%dma_wait3A_36 : memref<128xi32, #tpu.memory_space<hbm>>) dst(%arg9 : memref<128xi32, #tpu.memory_space<vmem>>)
        tpu.yield
      }) : () -> ()
      %dma_start3A = arith.constant 0 : i32
      %dma_start3A_15 = arith.constant 0 : i32
      %dma_start3A_16 = tpu.memref_slice %arg2[%dma_start3A, %dma_start3A_15] : memref<10000x128xf32, #tpu.memory_space<hbm>> -> memref<10000x128xf32, #tpu.memory_space<hbm>>
      tpu.enqueue_indirect_dma source(%dma_start3A_16 : memref<10000x128xf32, #tpu.memory_space<hbm>>) target(%arg12 : memref<128x128xf32, #tpu.memory_space<vmem>>) offsets(%arg9 : memref<128xi32, #tpu.memory_space<vmem>>) semaphore(%arg15 : memref<!tpu.dma_semaphore, #tpu.memory_space<semaphore_mem>>)
      %scan3A_17 = arith.constant 0 : i32
      %scan3A_18 = arith.constant 0 : i32
      %scan3A_19 = arith.constant 40 : i32
      %scan3A_20 = arith.addi %scan3A_18, %scan3A_19 : i32
      %scan3A_21 = arith.constant 1 : i32
      scf.for %scan3A_26 = %scan3A_18 to %scan3A_20 step %scan3A_21  : i32 {
        %mul3A_27 = arith.constant 2 : i32
        %mul3A_28 = arith.muli %mul3A_27, %scan3A_26 : i32
        %add3A = arith.constant 1 : i32
        %add3A_29 = arith.addi %mul3A_28, %add3A : i32
        %mul3A_30 = arith.constant 80 : i32
        %mul3A_31 = arith.muli %arg1, %mul3A_30 : i32
        %add3A_32 = arith.addi %mul3A_31, %add3A_29 : i32
        "tpu.region"() ({
          %run_scoped3A = tpu.sem_alloc : memref<!tpu.dma_semaphore, #tpu.memory_space<semaphore_mem>>
          %dma_start3A_45 = arith.constant 0 : i32
          %dma_start3A_46 = tpu.memref_slice %arg4[%add3A_32, %dma_start3A_45] : memref<1280x128xi32, #tpu.memory_space<hbm>> -> memref<1x128xi32, #tpu.memory_space<hbm>>
          %dma_start3A_47 = tpu.memref_squeeze %dma_start3A_46 : memref<1x128xi32, #tpu.memory_space<hbm>> -> memref<128xi32, #tpu.memory_space<hbm>>
          %dma_start3A_48 = arith.constant 0 : i32
          %dma_start3A_49 = tpu.memref_slice %arg4[%add3A_32, %dma_start3A_48] : memref<1280x128xi32, #tpu.memory_space<hbm>> -> memref<1x128xi32, #tpu.memory_space<hbm>>
          %dma_start3A_50 = tpu.memref_squeeze %dma_start3A_49 : memref<1x128xi32, #tpu.memory_space<hbm>> -> memref<128xi32, #tpu.memory_space<hbm>>
          tpu.enqueue_dma source(%dma_start3A_50 : memref<128xi32, #tpu.memory_space<hbm>>) target(%arg10 : memref<128xi32, #tpu.memory_space<vmem>>) target_semaphore(%run_scoped3A : memref<!tpu.dma_semaphore, #tpu.memory_space<semaphore_mem>>)
          %dma_wait3A_51 = arith.constant 0 : i32
          %dma_wait3A_52 = tpu.memref_slice %arg4[%add3A_32, %dma_wait3A_51] : memref<1280x128xi32, #tpu.memory_space<hbm>> -> memref<1x128xi32, #tpu.memory_space<hbm>>
          %dma_wait3A_53 = tpu.memref_squeeze %dma_wait3A_52 : memref<1x128xi32, #tpu.memory_space<hbm>> -> memref<128xi32, #tpu.memory_space<hbm>>
          %dma_wait3A_54 = arith.constant 0 : i32
          %dma_wait3A_55 = tpu.memref_slice %arg4[%add3A_32, %dma_wait3A_54] : memref<1280x128xi32, #tpu.memory_space<hbm>> -> memref<1x128xi32, #tpu.memory_space<hbm>>
          %dma_wait3A_56 = tpu.memref_squeeze %dma_wait3A_55 : memref<1x128xi32, #tpu.memory_space<hbm>> -> memref<128xi32, #tpu.memory_space<hbm>>
          tpu.wait_dma2 semaphore(%run_scoped3A : memref<!tpu.dma_semaphore, #tpu.memory_space<semaphore_mem>>) src(%dma_wait3A_56 : memref<128xi32, #tpu.memory_space<hbm>>) dst(%arg10 : memref<128xi32, #tpu.memory_space<vmem>>)
          tpu.yield
        }) : () -> ()
        %dma_start3A_33 = arith.constant 0 : i32
        %dma_start3A_34 = arith.constant 0 : i32
        %dma_start3A_35 = tpu.memref_slice %arg2[%dma_start3A_33, %dma_start3A_34] : memref<10000x128xf32, #tpu.memory_space<hbm>> -> memref<10000x128xf32, #tpu.memory_space<hbm>>
        tpu.enqueue_indirect_dma source(%dma_start3A_35 : memref<10000x128xf32, #tpu.memory_space<hbm>>) target(%arg13 : memref<128x128xf32, #tpu.memory_space<vmem>>) offsets(%arg10 : memref<128xi32, #tpu.memory_space<vmem>>) semaphore(%arg16 : memref<!tpu.dma_semaphore, #tpu.memory_space<semaphore_mem>>)
        %dma_wait3A = arith.constant 0 : i32
        %dma_wait3A_36 = arith.constant 0 : i32
        %dma_wait3A_37 = tpu.memref_slice %arg2[%dma_wait3A, %dma_wait3A_36] : memref<10000x128xf32, #tpu.memory_space<hbm>> -> memref<10000x128xf32, #tpu.memory_space<hbm>>
        tpu.wait_indirect_dma semaphore(%arg15 : memref<!tpu.dma_semaphore, #tpu.memory_space<semaphore_mem>>) src(%dma_wait3A_37 : memref<10000x128xf32, #tpu.memory_space<hbm>>) dst(%arg12 : memref<128x128xf32, #tpu.memory_space<vmem>>)
        "tpu.region"() ({
          %run_scoped3A = tpu.sem_alloc : memref<!tpu.dma_semaphore, #tpu.memory_space<semaphore_mem>>
          %dma_start3A_45 = arith.constant 0 : i32
          %dma_start3A_46 = tpu.memref_slice %arg11[%mul3A_28, %dma_start3A_45] : memref<80x128xi32, #tpu.memory_space<vmem>> -> memref<1x128xi32, #tpu.memory_space<vmem>>
          %dma_start3A_47 = tpu.memref_squeeze %dma_start3A_46 : memref<1x128xi32, #tpu.memory_space<vmem>> -> memref<128xi32, #tpu.memory_space<vmem>>
          %dma_start3A_48 = arith.constant 0 : i32
          %dma_start3A_49 = arith.constant 0 : i32
          %dma_start3A_50 = tpu.memref_slice %arg14[%dma_start3A_48, %dma_start3A_49] : memref<10240x128xf32, #tpu.memory_space<vmem_shared>> -> memref<10240x128xf32, #tpu.memory_space<vmem_shared>>
          tpu.enqueue_indirect_dma source(%arg12 : memref<128x128xf32, #tpu.memory_space<vmem>>) target(%dma_start3A_50 : memref<10240x128xf32, #tpu.memory_space<vmem_shared>>) offsets(%dma_start3A_47 : memref<128xi32, #tpu.memory_space<vmem>>) semaphore(%run_scoped3A : memref<!tpu.dma_semaphore, #tpu.memory_space<semaphore_mem>>) {add = true}
          %dma_wait3A_51 = arith.constant 0 : i32
          %dma_wait3A_52 = tpu.memref_slice %arg11[%mul3A_28, %dma_wait3A_51] : memref<80x128xi32, #tpu.memory_space<vmem>> -> memref<1x128xi32, #tpu.memory_space<vmem>>
          %dma_wait3A_53 = tpu.memref_squeeze %dma_wait3A_52 : memref<1x128xi32, #tpu.memory_space<vmem>> -> memref<128xi32, #tpu.memory_space<vmem>>
          %dma_wait3A_54 = arith.constant 0 : i32
          %dma_wait3A_55 = arith.constant 0 : i32
          %dma_wait3A_56 = tpu.memref_slice %arg14[%dma_wait3A_54, %dma_wait3A_55] : memref<10240x128xf32, #tpu.memory_space<vmem_shared>> -> memref<10240x128xf32, #tpu.memory_space<vmem_shared>>
          tpu.wait_indirect_dma semaphore(%run_scoped3A : memref<!tpu.dma_semaphore, #tpu.memory_space<semaphore_mem>>) src(%arg12 : memref<128x128xf32, #tpu.memory_space<vmem>>) dst(%dma_wait3A_56 : memref<10240x128xf32, #tpu.memory_space<vmem_shared>>)
          tpu.yield
        }) : () -> ()
        %lt3A = arith.constant 39 : i32
        %lt3A_38 = arith.cmpi slt, %scan3A_26, %lt3A : i32
        %convert_element_type3A_39 = arith.extui %lt3A_38 : i1 to i32
        %cond3A_40 = arith.constant 0 : i32
        %cond3A_41 = arith.cmpi ne, %convert_element_type3A_39, %cond3A_40 : i32
        scf.if %cond3A_41 {
          %mul3A_45 = arith.constant 80 : i32
          %mul3A_46 = arith.muli %arg1, %mul3A_45 : i32
          %add3A_47 = arith.addi %mul3A_46, %mul3A_28 : i32
          %add3A_48 = arith.constant 2 : i32
          %add3A_49 = arith.addi %add3A_47, %add3A_48 : i32
          "tpu.region"() ({
            %run_scoped3A = tpu.sem_alloc : memref<!tpu.dma_semaphore, #tpu.memory_space<semaphore_mem>>
            %dma_start3A_53 = arith.constant 0 : i32
            %dma_start3A_54 = tpu.memref_slice %arg4[%add3A_49, %dma_start3A_53] : memref<1280x128xi32, #tpu.memory_space<hbm>> -> memref<1x128xi32, #tpu.memory_space<hbm>>
            %dma_start3A_55 = tpu.memref_squeeze %dma_start3A_54 : memref<1x128xi32, #tpu.memory_space<hbm>> -> memref<128xi32, #tpu.memory_space<hbm>>
            %dma_start3A_56 = arith.constant 0 : i32
            %dma_start3A_57 = tpu.memref_slice %arg4[%add3A_49, %dma_start3A_56] : memref<1280x128xi32, #tpu.memory_space<hbm>> -> memref<1x128xi32, #tpu.memory_space<hbm>>
            %dma_start3A_58 = tpu.memref_squeeze %dma_start3A_57 : memref<1x128xi32, #tpu.memory_space<hbm>> -> memref<128xi32, #tpu.memory_space<hbm>>
            tpu.enqueue_dma source(%dma_start3A_58 : memref<128xi32, #tpu.memory_space<hbm>>) target(%arg9 : memref<128xi32, #tpu.memory_space<vmem>>) target_semaphore(%run_scoped3A : memref<!tpu.dma_semaphore, #tpu.memory_space<semaphore_mem>>)
            %dma_wait3A_59 = arith.constant 0 : i32
            %dma_wait3A_60 = tpu.memref_slice %arg4[%add3A_49, %dma_wait3A_59] : memref<1280x128xi32, #tpu.memory_space<hbm>> -> memref<1x128xi32, #tpu.memory_space<hbm>>
            %dma_wait3A_61 = tpu.memref_squeeze %dma_wait3A_60 : memref<1x128xi32, #tpu.memory_space<hbm>> -> memref<128xi32, #tpu.memory_space<hbm>>
            %dma_wait3A_62 = arith.constant 0 : i32
            %dma_wait3A_63 = tpu.memref_slice %arg4[%add3A_49, %dma_wait3A_62] : memref<1280x128xi32, #tpu.memory_space<hbm>> -> memref<1x128xi32, #tpu.memory_space<hbm>>
            %dma_wait3A_64 = tpu.memref_squeeze %dma_wait3A_63 : memref<1x128xi32, #tpu.memory_space<hbm>> -> memref<128xi32, #tpu.memory_space<hbm>>
            tpu.wait_dma2 semaphore(%run_scoped3A : memref<!tpu.dma_semaphore, #tpu.memory_space<semaphore_mem>>) src(%dma_wait3A_64 : memref<128xi32, #tpu.memory_space<hbm>>) dst(%arg9 : memref<128xi32, #tpu.memory_space<vmem>>)
            tpu.yield
          }) : () -> ()
          %dma_start3A_50 = arith.constant 0 : i32
          %dma_start3A_51 = arith.constant 0 : i32
          %dma_start3A_52 = tpu.memref_slice %arg2[%dma_start3A_50, %dma_start3A_51] : memref<10000x128xf32, #tpu.memory_space<hbm>> -> memref<10000x128xf32, #tpu.memory_space<hbm>>
          tpu.enqueue_indirect_dma source(%dma_start3A_52 : memref<10000x128xf32, #tpu.memory_space<hbm>>) target(%arg12 : memref<128x128xf32, #tpu.memory_space<vmem>>) offsets(%arg9 : memref<128xi32, #tpu.memory_space<vmem>>) semaphore(%arg15 : memref<!tpu.dma_semaphore, #tpu.memory_space<semaphore_mem>>)
        } else {
        }
        %dma_wait3A_42 = arith.constant 0 : i32
        %dma_wait3A_43 = arith.constant 0 : i32
        %dma_wait3A_44 = tpu.memref_slice %arg2[%dma_wait3A_42, %dma_wait3A_43] : memref<10000x128xf32, #tpu.memory_space<hbm>> -> memref<10000x128xf32, #tpu.memory_space<hbm>>
        tpu.wait_indirect_dma semaphore(%arg16 : memref<!tpu.dma_semaphore, #tpu.memory_space<semaphore_mem>>) src(%dma_wait3A_44 : memref<10000x128xf32, #tpu.memory_space<hbm>>) dst(%arg13 : memref<128x128xf32, #tpu.memory_space<vmem>>)
        "tpu.region"() ({
          %run_scoped3A = tpu.sem_alloc : memref<!tpu.dma_semaphore, #tpu.memory_space<semaphore_mem>>
          %dma_start3A_45 = arith.constant 0 : i32
          %dma_start3A_46 = tpu.memref_slice %arg11[%add3A_29, %dma_start3A_45] : memref<80x128xi32, #tpu.memory_space<vmem>> -> memref<1x128xi32, #tpu.memory_space<vmem>>
          %dma_start3A_47 = tpu.memref_squeeze %dma_start3A_46 : memref<1x128xi32, #tpu.memory_space<vmem>> -> memref<128xi32, #tpu.memory_space<vmem>>
          %dma_start3A_48 = arith.constant 0 : i32
          %dma_start3A_49 = arith.constant 0 : i32
          %dma_start3A_50 = tpu.memref_slice %arg14[%dma_start3A_48, %dma_start3A_49] : memref<10240x128xf32, #tpu.memory_space<vmem_shared>> -> memref<10240x128xf32, #tpu.memory_space<vmem_shared>>
          tpu.enqueue_indirect_dma source(%arg13 : memref<128x128xf32, #tpu.memory_space<vmem>>) target(%dma_start3A_50 : memref<10240x128xf32, #tpu.memory_space<vmem_shared>>) offsets(%dma_start3A_47 : memref<128xi32, #tpu.memory_space<vmem>>) semaphore(%run_scoped3A : memref<!tpu.dma_semaphore, #tpu.memory_space<semaphore_mem>>) {add = true}
          %dma_wait3A_51 = arith.constant 0 : i32
          %dma_wait3A_52 = tpu.memref_slice %arg11[%add3A_29, %dma_wait3A_51] : memref<80x128xi32, #tpu.memory_space<vmem>> -> memref<1x128xi32, #tpu.memory_space<vmem>>
          %dma_wait3A_53 = tpu.memref_squeeze %dma_wait3A_52 : memref<1x128xi32, #tpu.memory_space<vmem>> -> memref<128xi32, #tpu.memory_space<vmem>>
          %dma_wait3A_54 = arith.constant 0 : i32
          %dma_wait3A_55 = arith.constant 0 : i32
          %dma_wait3A_56 = tpu.memref_slice %arg14[%dma_wait3A_54, %dma_wait3A_55] : memref<10240x128xf32, #tpu.memory_space<vmem_shared>> -> memref<10240x128xf32, #tpu.memory_space<vmem_shared>>
          tpu.wait_indirect_dma semaphore(%run_scoped3A : memref<!tpu.dma_semaphore, #tpu.memory_space<semaphore_mem>>) src(%arg13 : memref<128x128xf32, #tpu.memory_space<vmem>>) dst(%dma_wait3A_56 : memref<10240x128xf32, #tpu.memory_space<vmem_shared>>)
          tpu.yield
        }) : () -> ()
      }
      %scan3A_22 = arith.constant 40 : i32
      %barrier3A_23 = arith.constant 0 : index
      tpu.barrier barrier_id(%barrier3A_23)
      %mul3A_24 = arith.constant 640 : i32
      %mul3A_25 = arith.muli %arg1, %mul3A_24 : i32
      %multiple_of3A = tpu.assume_multiple %mul3A_25, 640 : i32
      "tpu.region"() ({
        %run_scoped3A = tpu.sem_alloc : memref<!tpu.dma_semaphore, #tpu.memory_space<semaphore_mem>>
        %dma_start3A_26 = arith.constant 0 : i32
        %dma_start3A_27 = tpu.memref_slice %arg7[%multiple_of3A, %dma_start3A_26] : memref<10240x128xf32, #tpu.memory_space<hbm>> -> memref<640x128xf32, #tpu.memory_space<hbm>>
        %dma_start3A_28 = arith.constant 0 : i32
        %dma_start3A_29 = tpu.memref_slice %arg14[%multiple_of3A, %dma_start3A_28] : memref<10240x128xf32, #tpu.memory_space<vmem_shared>> -> memref<640x128xf32, #tpu.memory_space<vmem_shared>>
        tpu.enqueue_dma source(%dma_start3A_29 : memref<640x128xf32, #tpu.memory_space<vmem_shared>>) target(%dma_start3A_27 : memref<640x128xf32, #tpu.memory_space<hbm>>) target_semaphore(%run_scoped3A : memref<!tpu.dma_semaphore, #tpu.memory_space<semaphore_mem>>)
        %dma_wait3A = arith.constant 0 : i32
        %dma_wait3A_30 = tpu.memref_slice %arg7[%multiple_of3A, %dma_wait3A] : memref<10240x128xf32, #tpu.memory_space<hbm>> -> memref<640x128xf32, #tpu.memory_space<hbm>>
        %dma_wait3A_31 = arith.constant 0 : i32
        %dma_wait3A_32 = tpu.memref_slice %arg14[%multiple_of3A, %dma_wait3A_31] : memref<10240x128xf32, #tpu.memory_space<vmem_shared>> -> memref<640x128xf32, #tpu.memory_space<vmem_shared>>
        tpu.wait_dma2 semaphore(%run_scoped3A : memref<!tpu.dma_semaphore, #tpu.memory_space<semaphore_mem>>) src(%dma_wait3A_32 : memref<640x128xf32, #tpu.memory_space<vmem_shared>>) dst(%dma_wait3A_30 : memref<640x128xf32, #tpu.memory_space<hbm>>)
        tpu.yield
      }) : () -> ()
    } else {
    }
    %eq3A_2 = arith.constant 1 : i32
    %eq3A_3 = arith.cmpi eq, %arg0, %eq3A_2 : i32
    %convert_element_type3A_4 = arith.extui %eq3A_3 : i1 to i32
    %cond3A_5 = arith.constant 0 : i32
    %cond3A_6 = arith.cmpi ne, %convert_element_type3A_4, %cond3A_5 : i32
    scf.if %cond3A_6 {
      %mul3A = arith.constant 80 : i32
      %mul3A_7 = arith.muli %arg1, %mul3A : i32
      "tpu.region"() ({
        %run_scoped3A = tpu.sem_alloc : memref<!tpu.dma_semaphore, #tpu.memory_space<semaphore_mem>>
        %dma_start3A_26 = arith.constant 0 : i32
        %dma_start3A_27 = tpu.memref_slice %arg5[%mul3A_7, %dma_start3A_26] : memref<1280x128xi32, #tpu.memory_space<hbm>> -> memref<80x128xi32, #tpu.memory_space<hbm>>
        %dma_start3A_28 = arith.constant 0 : i32
        %dma_start3A_29 = tpu.memref_slice %arg5[%mul3A_7, %dma_start3A_28] : memref<1280x128xi32, #tpu.memory_space<hbm>> -> memref<80x128xi32, #tpu.memory_space<hbm>>
        tpu.enqueue_dma source(%dma_start3A_29 : memref<80x128xi32, #tpu.memory_space<hbm>>) target(%arg11 : memref<80x128xi32, #tpu.memory_space<vmem>>) target_semaphore(%run_scoped3A : memref<!tpu.dma_semaphore, #tpu.memory_space<semaphore_mem>>)
        %dma_wait3A = arith.constant 0 : i32
        %dma_wait3A_30 = tpu.memref_slice %arg5[%mul3A_7, %dma_wait3A] : memref<1280x128xi32, #tpu.memory_space<hbm>> -> memref<80x128xi32, #tpu.memory_space<hbm>>
        %dma_wait3A_31 = arith.constant 0 : i32
        %dma_wait3A_32 = tpu.memref_slice %arg5[%mul3A_7, %dma_wait3A_31] : memref<1280x128xi32, #tpu.memory_space<hbm>> -> memref<80x128xi32, #tpu.memory_space<hbm>>
        tpu.wait_dma2 semaphore(%run_scoped3A : memref<!tpu.dma_semaphore, #tpu.memory_space<semaphore_mem>>) src(%dma_wait3A_32 : memref<80x128xi32, #tpu.memory_space<hbm>>) dst(%arg11 : memref<80x128xi32, #tpu.memory_space<vmem>>)
        tpu.yield
      }) : () -> ()
      "tpu.region"() ({
        %run_scoped3A = tpu.sem_alloc : memref<!tpu.dma_semaphore, #tpu.memory_space<semaphore_mem>>
        tpu.enqueue_dma source(%arg6 : memref<128x128xf32, #tpu.memory_space<hbm>>) target(%arg12 : memref<128x128xf32, #tpu.memory_space<vmem>>) target_semaphore(%run_scoped3A : memref<!tpu.dma_semaphore, #tpu.memory_space<semaphore_mem>>)
        tpu.wait_dma2 semaphore(%run_scoped3A : memref<!tpu.dma_semaphore, #tpu.memory_space<semaphore_mem>>) src(%arg6 : memref<128x128xf32, #tpu.memory_space<hbm>>) dst(%arg12 : memref<128x128xf32, #tpu.memory_space<vmem>>)
        tpu.yield
      }) : () -> ()
      %scan3A = arith.constant 0 : i32
      %scan3A_8 = arith.constant 0 : i32
      %scan3A_9 = arith.constant 5 : i32
      %scan3A_10 = arith.addi %scan3A_8, %scan3A_9 : i32
      %scan3A_11 = arith.constant 1 : i32
      scf.for %scan3A_26 = %scan3A_8 to %scan3A_10 step %scan3A_11  : i32 {
        %mul3A_27 = arith.constant 5 : i32
        %mul3A_28 = arith.muli %arg1, %mul3A_27 : i32
        %add3A = arith.addi %mul3A_28, %scan3A_26 : i32
        %mul3A_29 = arith.constant 128 : i32
        %mul3A_30 = arith.muli %add3A, %mul3A_29 : i32
        %multiple_of3A_31 = tpu.assume_multiple %mul3A_30, 128 : i32
        "tpu.region"() ({
          %run_scoped3A = tpu.sem_alloc : memref<!tpu.dma_semaphore, #tpu.memory_space<semaphore_mem>>
          %dma_start3A_32 = arith.constant 0 : i32
          %dma_start3A_33 = tpu.memref_slice %arg14[%multiple_of3A_31, %dma_start3A_32] : memref<10240x128xf32, #tpu.memory_space<vmem_shared>> -> memref<128x128xf32, #tpu.memory_space<vmem_shared>>
          %dma_start3A_34 = arith.constant 0 : i32
          %dma_start3A_35 = tpu.memref_slice %arg14[%multiple_of3A_31, %dma_start3A_34] : memref<10240x128xf32, #tpu.memory_space<vmem_shared>> -> memref<128x128xf32, #tpu.memory_space<vmem_shared>>
          tpu.enqueue_dma source(%arg12 : memref<128x128xf32, #tpu.memory_space<vmem>>) target(%dma_start3A_35 : memref<128x128xf32, #tpu.memory_space<vmem_shared>>) target_semaphore(%run_scoped3A : memref<!tpu.dma_semaphore, #tpu.memory_space<semaphore_mem>>)
          %dma_wait3A = arith.constant 0 : i32
          %dma_wait3A_36 = tpu.memref_slice %arg14[%multiple_of3A_31, %dma_wait3A] : memref<10240x128xf32, #tpu.memory_space<vmem_shared>> -> memref<128x128xf32, #tpu.memory_space<vmem_shared>>
          %dma_wait3A_37 = arith.constant 0 : i32
          %dma_wait3A_38 = tpu.memref_slice %arg14[%multiple_of3A_31, %dma_wait3A_37] : memref<10240x128xf32, #tpu.memory_space<vmem_shared>> -> memref<128x128xf32, #tpu.memory_space<vmem_shared>>
          tpu.wait_dma2 semaphore(%run_scoped3A : memref<!tpu.dma_semaphore, #tpu.memory_space<semaphore_mem>>) src(%arg12 : memref<128x128xf32, #tpu.memory_space<vmem>>) dst(%dma_wait3A_38 : memref<128x128xf32, #tpu.memory_space<vmem_shared>>)
          tpu.yield
        }) : () -> ()
      }
      %scan3A_12 = arith.constant 5 : i32
      %barrier3A = arith.constant 0 : index
      tpu.barrier barrier_id(%barrier3A)
      %mul3A_13 = arith.constant 80 : i32
      %mul3A_14 = arith.muli %arg1, %mul3A_13 : i32
      "tpu.region"() ({
        %run_scoped3A = tpu.sem_alloc : memref<!tpu.dma_semaphore, #tpu.memory_space<semaphore_mem>>
        %dma_start3A_26 = arith.constant 0 : i32
        %dma_start3A_27 = tpu.memref_slice %arg4[%mul3A_14, %dma_start3A_26] : memref<1280x128xi32, #tpu.memory_space<hbm>> -> memref<1x128xi32, #tpu.memory_space<hbm>>
        %dma_start3A_28 = tpu.memref_squeeze %dma_start3A_27 : memref<1x128xi32, #tpu.memory_space<hbm>> -> memref<128xi32, #tpu.memory_space<hbm>>
        %dma_start3A_29 = arith.constant 0 : i32
        %dma_start3A_30 = tpu.memref_slice %arg4[%mul3A_14, %dma_start3A_29] : memref<1280x128xi32, #tpu.memory_space<hbm>> -> memref<1x128xi32, #tpu.memory_space<hbm>>
        %dma_start3A_31 = tpu.memref_squeeze %dma_start3A_30 : memref<1x128xi32, #tpu.memory_space<hbm>> -> memref<128xi32, #tpu.memory_space<hbm>>
        tpu.enqueue_dma source(%dma_start3A_31 : memref<128xi32, #tpu.memory_space<hbm>>) target(%arg9 : memref<128xi32, #tpu.memory_space<vmem>>) target_semaphore(%run_scoped3A : memref<!tpu.dma_semaphore, #tpu.memory_space<semaphore_mem>>)
        %dma_wait3A = arith.constant 0 : i32
        %dma_wait3A_32 = tpu.memref_slice %arg4[%mul3A_14, %dma_wait3A] : memref<1280x128xi32, #tpu.memory_space<hbm>> -> memref<1x128xi32, #tpu.memory_space<hbm>>
        %dma_wait3A_33 = tpu.memref_squeeze %dma_wait3A_32 : memref<1x128xi32, #tpu.memory_space<hbm>> -> memref<128xi32, #tpu.memory_space<hbm>>
        %dma_wait3A_34 = arith.constant 0 : i32
        %dma_wait3A_35 = tpu.memref_slice %arg4[%mul3A_14, %dma_wait3A_34] : memref<1280x128xi32, #tpu.memory_space<hbm>> -> memref<1x128xi32, #tpu.memory_space<hbm>>
        %dma_wait3A_36 = tpu.memref_squeeze %dma_wait3A_35 : memref<1x128xi32, #tpu.memory_space<hbm>> -> memref<128xi32, #tpu.memory_space<hbm>>
        tpu.wait_dma2 semaphore(%run_scoped3A : memref<!tpu.dma_semaphore, #tpu.memory_space<semaphore_mem>>) src(%dma_wait3A_36 : memref<128xi32, #tpu.memory_space<hbm>>) dst(%arg9 : memref<128xi32, #tpu.memory_space<vmem>>)
        tpu.yield
      }) : () -> ()
      %dma_start3A = arith.constant 0 : i32
      %dma_start3A_15 = arith.constant 0 : i32
      %dma_start3A_16 = tpu.memref_slice %arg3[%dma_start3A, %dma_start3A_15] : memref<10000x128xf32, #tpu.memory_space<hbm>> -> memref<10000x128xf32, #tpu.memory_space<hbm>>
      tpu.enqueue_indirect_dma source(%dma_start3A_16 : memref<10000x128xf32, #tpu.memory_space<hbm>>) target(%arg12 : memref<128x128xf32, #tpu.memory_space<vmem>>) offsets(%arg9 : memref<128xi32, #tpu.memory_space<vmem>>) semaphore(%arg15 : memref<!tpu.dma_semaphore, #tpu.memory_space<semaphore_mem>>)
      %scan3A_17 = arith.constant 0 : i32
      %scan3A_18 = arith.constant 0 : i32
      %scan3A_19 = arith.constant 40 : i32
      %scan3A_20 = arith.addi %scan3A_18, %scan3A_19 : i32
      %scan3A_21 = arith.constant 1 : i32
      scf.for %scan3A_26 = %scan3A_18 to %scan3A_20 step %scan3A_21  : i32 {
        %mul3A_27 = arith.constant 2 : i32
        %mul3A_28 = arith.muli %mul3A_27, %scan3A_26 : i32
        %add3A = arith.constant 1 : i32
        %add3A_29 = arith.addi %mul3A_28, %add3A : i32
        %mul3A_30 = arith.constant 80 : i32
        %mul3A_31 = arith.muli %arg1, %mul3A_30 : i32
        %add3A_32 = arith.addi %mul3A_31, %add3A_29 : i32
        "tpu.region"() ({
          %run_scoped3A = tpu.sem_alloc : memref<!tpu.dma_semaphore, #tpu.memory_space<semaphore_mem>>
          %dma_start3A_45 = arith.constant 0 : i32
          %dma_start3A_46 = tpu.memref_slice %arg4[%add3A_32, %dma_start3A_45] : memref<1280x128xi32, #tpu.memory_space<hbm>> -> memref<1x128xi32, #tpu.memory_space<hbm>>
          %dma_start3A_47 = tpu.memref_squeeze %dma_start3A_46 : memref<1x128xi32, #tpu.memory_space<hbm>> -> memref<128xi32, #tpu.memory_space<hbm>>
          %dma_start3A_48 = arith.constant 0 : i32
          %dma_start3A_49 = tpu.memref_slice %arg4[%add3A_32, %dma_start3A_48] : memref<1280x128xi32, #tpu.memory_space<hbm>> -> memref<1x128xi32, #tpu.memory_space<hbm>>
          %dma_start3A_50 = tpu.memref_squeeze %dma_start3A_49 : memref<1x128xi32, #tpu.memory_space<hbm>> -> memref<128xi32, #tpu.memory_space<hbm>>
          tpu.enqueue_dma source(%dma_start3A_50 : memref<128xi32, #tpu.memory_space<hbm>>) target(%arg10 : memref<128xi32, #tpu.memory_space<vmem>>) target_semaphore(%run_scoped3A : memref<!tpu.dma_semaphore, #tpu.memory_space<semaphore_mem>>)
          %dma_wait3A_51 = arith.constant 0 : i32
          %dma_wait3A_52 = tpu.memref_slice %arg4[%add3A_32, %dma_wait3A_51] : memref<1280x128xi32, #tpu.memory_space<hbm>> -> memref<1x128xi32, #tpu.memory_space<hbm>>
          %dma_wait3A_53 = tpu.memref_squeeze %dma_wait3A_52 : memref<1x128xi32, #tpu.memory_space<hbm>> -> memref<128xi32, #tpu.memory_space<hbm>>
          %dma_wait3A_54 = arith.constant 0 : i32
          %dma_wait3A_55 = tpu.memref_slice %arg4[%add3A_32, %dma_wait3A_54] : memref<1280x128xi32, #tpu.memory_space<hbm>> -> memref<1x128xi32, #tpu.memory_space<hbm>>
          %dma_wait3A_56 = tpu.memref_squeeze %dma_wait3A_55 : memref<1x128xi32, #tpu.memory_space<hbm>> -> memref<128xi32, #tpu.memory_space<hbm>>
          tpu.wait_dma2 semaphore(%run_scoped3A : memref<!tpu.dma_semaphore, #tpu.memory_space<semaphore_mem>>) src(%dma_wait3A_56 : memref<128xi32, #tpu.memory_space<hbm>>) dst(%arg10 : memref<128xi32, #tpu.memory_space<vmem>>)
          tpu.yield
        }) : () -> ()
        %dma_start3A_33 = arith.constant 0 : i32
        %dma_start3A_34 = arith.constant 0 : i32
        %dma_start3A_35 = tpu.memref_slice %arg3[%dma_start3A_33, %dma_start3A_34] : memref<10000x128xf32, #tpu.memory_space<hbm>> -> memref<10000x128xf32, #tpu.memory_space<hbm>>
        tpu.enqueue_indirect_dma source(%dma_start3A_35 : memref<10000x128xf32, #tpu.memory_space<hbm>>) target(%arg13 : memref<128x128xf32, #tpu.memory_space<vmem>>) offsets(%arg10 : memref<128xi32, #tpu.memory_space<vmem>>) semaphore(%arg16 : memref<!tpu.dma_semaphore, #tpu.memory_space<semaphore_mem>>)
        %dma_wait3A = arith.constant 0 : i32
        %dma_wait3A_36 = arith.constant 0 : i32
        %dma_wait3A_37 = tpu.memref_slice %arg3[%dma_wait3A, %dma_wait3A_36] : memref<10000x128xf32, #tpu.memory_space<hbm>> -> memref<10000x128xf32, #tpu.memory_space<hbm>>
        tpu.wait_indirect_dma semaphore(%arg15 : memref<!tpu.dma_semaphore, #tpu.memory_space<semaphore_mem>>) src(%dma_wait3A_37 : memref<10000x128xf32, #tpu.memory_space<hbm>>) dst(%arg12 : memref<128x128xf32, #tpu.memory_space<vmem>>)
        "tpu.region"() ({
          %run_scoped3A = tpu.sem_alloc : memref<!tpu.dma_semaphore, #tpu.memory_space<semaphore_mem>>
          %dma_start3A_45 = arith.constant 0 : i32
          %dma_start3A_46 = tpu.memref_slice %arg11[%mul3A_28, %dma_start3A_45] : memref<80x128xi32, #tpu.memory_space<vmem>> -> memref<1x128xi32, #tpu.memory_space<vmem>>
          %dma_start3A_47 = tpu.memref_squeeze %dma_start3A_46 : memref<1x128xi32, #tpu.memory_space<vmem>> -> memref<128xi32, #tpu.memory_space<vmem>>
          %dma_start3A_48 = arith.constant 0 : i32
          %dma_start3A_49 = arith.constant 0 : i32
          %dma_start3A_50 = tpu.memref_slice %arg14[%dma_start3A_48, %dma_start3A_49] : memref<10240x128xf32, #tpu.memory_space<vmem_shared>> -> memref<10240x128xf32, #tpu.memory_space<vmem_shared>>
          tpu.enqueue_indirect_dma source(%arg12 : memref<128x128xf32, #tpu.memory_space<vmem>>) target(%dma_start3A_50 : memref<10240x128xf32, #tpu.memory_space<vmem_shared>>) offsets(%dma_start3A_47 : memref<128xi32, #tpu.memory_space<vmem>>) semaphore(%run_scoped3A : memref<!tpu.dma_semaphore, #tpu.memory_space<semaphore_mem>>) {add = true}
          %dma_wait3A_51 = arith.constant 0 : i32
          %dma_wait3A_52 = tpu.memref_slice %arg11[%mul3A_28, %dma_wait3A_51] : memref<80x128xi32, #tpu.memory_space<vmem>> -> memref<1x128xi32, #tpu.memory_space<vmem>>
          %dma_wait3A_53 = tpu.memref_squeeze %dma_wait3A_52 : memref<1x128xi32, #tpu.memory_space<vmem>> -> memref<128xi32, #tpu.memory_space<vmem>>
          %dma_wait3A_54 = arith.constant 0 : i32
          %dma_wait3A_55 = arith.constant 0 : i32
          %dma_wait3A_56 = tpu.memref_slice %arg14[%dma_wait3A_54, %dma_wait3A_55] : memref<10240x128xf32, #tpu.memory_space<vmem_shared>> -> memref<10240x128xf32, #tpu.memory_space<vmem_shared>>
          tpu.wait_indirect_dma semaphore(%run_scoped3A : memref<!tpu.dma_semaphore, #tpu.memory_space<semaphore_mem>>) src(%arg12 : memref<128x128xf32, #tpu.memory_space<vmem>>) dst(%dma_wait3A_56 : memref<10240x128xf32, #tpu.memory_space<vmem_shared>>)
          tpu.yield
        }) : () -> ()
        %lt3A = arith.constant 39 : i32
        %lt3A_38 = arith.cmpi slt, %scan3A_26, %lt3A : i32
        %convert_element_type3A_39 = arith.extui %lt3A_38 : i1 to i32
        %cond3A_40 = arith.constant 0 : i32
        %cond3A_41 = arith.cmpi ne, %convert_element_type3A_39, %cond3A_40 : i32
        scf.if %cond3A_41 {
          %mul3A_45 = arith.constant 80 : i32
          %mul3A_46 = arith.muli %arg1, %mul3A_45 : i32
          %add3A_47 = arith.addi %mul3A_46, %mul3A_28 : i32
          %add3A_48 = arith.constant 2 : i32
          %add3A_49 = arith.addi %add3A_47, %add3A_48 : i32
          "tpu.region"() ({
            %run_scoped3A = tpu.sem_alloc : memref<!tpu.dma_semaphore, #tpu.memory_space<semaphore_mem>>
            %dma_start3A_53 = arith.constant 0 : i32
            %dma_start3A_54 = tpu.memref_slice %arg4[%add3A_49, %dma_start3A_53] : memref<1280x128xi32, #tpu.memory_space<hbm>> -> memref<1x128xi32, #tpu.memory_space<hbm>>
            %dma_start3A_55 = tpu.memref_squeeze %dma_start3A_54 : memref<1x128xi32, #tpu.memory_space<hbm>> -> memref<128xi32, #tpu.memory_space<hbm>>
            %dma_start3A_56 = arith.constant 0 : i32
            %dma_start3A_57 = tpu.memref_slice %arg4[%add3A_49, %dma_start3A_56] : memref<1280x128xi32, #tpu.memory_space<hbm>> -> memref<1x128xi32, #tpu.memory_space<hbm>>
            %dma_start3A_58 = tpu.memref_squeeze %dma_start3A_57 : memref<1x128xi32, #tpu.memory_space<hbm>> -> memref<128xi32, #tpu.memory_space<hbm>>
            tpu.enqueue_dma source(%dma_start3A_58 : memref<128xi32, #tpu.memory_space<hbm>>) target(%arg9 : memref<128xi32, #tpu.memory_space<vmem>>) target_semaphore(%run_scoped3A : memref<!tpu.dma_semaphore, #tpu.memory_space<semaphore_mem>>)
            %dma_wait3A_59 = arith.constant 0 : i32
            %dma_wait3A_60 = tpu.memref_slice %arg4[%add3A_49, %dma_wait3A_59] : memref<1280x128xi32, #tpu.memory_space<hbm>> -> memref<1x128xi32, #tpu.memory_space<hbm>>
            %dma_wait3A_61 = tpu.memref_squeeze %dma_wait3A_60 : memref<1x128xi32, #tpu.memory_space<hbm>> -> memref<128xi32, #tpu.memory_space<hbm>>
            %dma_wait3A_62 = arith.constant 0 : i32
            %dma_wait3A_63 = tpu.memref_slice %arg4[%add3A_49, %dma_wait3A_62] : memref<1280x128xi32, #tpu.memory_space<hbm>> -> memref<1x128xi32, #tpu.memory_space<hbm>>
            %dma_wait3A_64 = tpu.memref_squeeze %dma_wait3A_63 : memref<1x128xi32, #tpu.memory_space<hbm>> -> memref<128xi32, #tpu.memory_space<hbm>>
            tpu.wait_dma2 semaphore(%run_scoped3A : memref<!tpu.dma_semaphore, #tpu.memory_space<semaphore_mem>>) src(%dma_wait3A_64 : memref<128xi32, #tpu.memory_space<hbm>>) dst(%arg9 : memref<128xi32, #tpu.memory_space<vmem>>)
            tpu.yield
          }) : () -> ()
          %dma_start3A_50 = arith.constant 0 : i32
          %dma_start3A_51 = arith.constant 0 : i32
          %dma_start3A_52 = tpu.memref_slice %arg3[%dma_start3A_50, %dma_start3A_51] : memref<10000x128xf32, #tpu.memory_space<hbm>> -> memref<10000x128xf32, #tpu.memory_space<hbm>>
          tpu.enqueue_indirect_dma source(%dma_start3A_52 : memref<10000x128xf32, #tpu.memory_space<hbm>>) target(%arg12 : memref<128x128xf32, #tpu.memory_space<vmem>>) offsets(%arg9 : memref<128xi32, #tpu.memory_space<vmem>>) semaphore(%arg15 : memref<!tpu.dma_semaphore, #tpu.memory_space<semaphore_mem>>)
        } else {
        }
        %dma_wait3A_42 = arith.constant 0 : i32
        %dma_wait3A_43 = arith.constant 0 : i32
        %dma_wait3A_44 = tpu.memref_slice %arg3[%dma_wait3A_42, %dma_wait3A_43] : memref<10000x128xf32, #tpu.memory_space<hbm>> -> memref<10000x128xf32, #tpu.memory_space<hbm>>
        tpu.wait_indirect_dma semaphore(%arg16 : memref<!tpu.dma_semaphore, #tpu.memory_space<semaphore_mem>>) src(%dma_wait3A_44 : memref<10000x128xf32, #tpu.memory_space<hbm>>) dst(%arg13 : memref<128x128xf32, #tpu.memory_space<vmem>>)
        "tpu.region"() ({
          %run_scoped3A = tpu.sem_alloc : memref<!tpu.dma_semaphore, #tpu.memory_space<semaphore_mem>>
          %dma_start3A_45 = arith.constant 0 : i32
          %dma_start3A_46 = tpu.memref_slice %arg11[%add3A_29, %dma_start3A_45] : memref<80x128xi32, #tpu.memory_space<vmem>> -> memref<1x128xi32, #tpu.memory_space<vmem>>
          %dma_start3A_47 = tpu.memref_squeeze %dma_start3A_46 : memref<1x128xi32, #tpu.memory_space<vmem>> -> memref<128xi32, #tpu.memory_space<vmem>>
          %dma_start3A_48 = arith.constant 0 : i32
          %dma_start3A_49 = arith.constant 0 : i32
          %dma_start3A_50 = tpu.memref_slice %arg14[%dma_start3A_48, %dma_start3A_49] : memref<10240x128xf32, #tpu.memory_space<vmem_shared>> -> memref<10240x128xf32, #tpu.memory_space<vmem_shared>>
          tpu.enqueue_indirect_dma source(%arg13 : memref<128x128xf32, #tpu.memory_space<vmem>>) target(%dma_start3A_50 : memref<10240x128xf32, #tpu.memory_space<vmem_shared>>) offsets(%dma_start3A_47 : memref<128xi32, #tpu.memory_space<vmem>>) semaphore(%run_scoped3A : memref<!tpu.dma_semaphore, #tpu.memory_space<semaphore_mem>>) {add = true}
          %dma_wait3A_51 = arith.constant 0 : i32
          %dma_wait3A_52 = tpu.memref_slice %arg11[%add3A_29, %dma_wait3A_51] : memref<80x128xi32, #tpu.memory_space<vmem>> -> memref<1x128xi32, #tpu.memory_space<vmem>>
          %dma_wait3A_53 = tpu.memref_squeeze %dma_wait3A_52 : memref<1x128xi32, #tpu.memory_space<vmem>> -> memref<128xi32, #tpu.memory_space<vmem>>
          %dma_wait3A_54 = arith.constant 0 : i32
          %dma_wait3A_55 = arith.constant 0 : i32
          %dma_wait3A_56 = tpu.memref_slice %arg14[%dma_wait3A_54, %dma_wait3A_55] : memref<10240x128xf32, #tpu.memory_space<vmem_shared>> -> memref<10240x128xf32, #tpu.memory_space<vmem_shared>>
          tpu.wait_indirect_dma semaphore(%run_scoped3A : memref<!tpu.dma_semaphore, #tpu.memory_space<semaphore_mem>>) src(%arg13 : memref<128x128xf32, #tpu.memory_space<vmem>>) dst(%dma_wait3A_56 : memref<10240x128xf32, #tpu.memory_space<vmem_shared>>)
          tpu.yield
        }) : () -> ()
      }
      %scan3A_22 = arith.constant 40 : i32
      %barrier3A_23 = arith.constant 0 : index
      tpu.barrier barrier_id(%barrier3A_23)
      %mul3A_24 = arith.constant 640 : i32
      %mul3A_25 = arith.muli %arg1, %mul3A_24 : i32
      %multiple_of3A = tpu.assume_multiple %mul3A_25, 640 : i32
      "tpu.region"() ({
        %run_scoped3A = tpu.sem_alloc : memref<!tpu.dma_semaphore, #tpu.memory_space<semaphore_mem>>
        %dma_start3A_26 = arith.constant 0 : i32
        %dma_start3A_27 = tpu.memref_slice %arg8[%multiple_of3A, %dma_start3A_26] : memref<10240x128xf32, #tpu.memory_space<hbm>> -> memref<640x128xf32, #tpu.memory_space<hbm>>
        %dma_start3A_28 = arith.constant 0 : i32
        %dma_start3A_29 = tpu.memref_slice %arg14[%multiple_of3A, %dma_start3A_28] : memref<10240x128xf32, #tpu.memory_space<vmem_shared>> -> memref<640x128xf32, #tpu.memory_space<vmem_shared>>
        tpu.enqueue_dma source(%dma_start3A_29 : memref<640x128xf32, #tpu.memory_space<vmem_shared>>) target(%dma_start3A_27 : memref<640x128xf32, #tpu.memory_space<hbm>>) target_semaphore(%run_scoped3A : memref<!tpu.dma_semaphore, #tpu.memory_space<semaphore_mem>>)
        %dma_wait3A = arith.constant 0 : i32
        %dma_wait3A_30 = tpu.memref_slice %arg8[%multiple_of3A, %dma_wait3A] : memref<10240x128xf32, #tpu.memory_space<hbm>> -> memref<640x128xf32, #tpu.memory_space<hbm>>
        %dma_wait3A_31 = arith.constant 0 : i32
        %dma_wait3A_32 = tpu.memref_slice %arg14[%multiple_of3A, %dma_wait3A_31] : memref<10240x128xf32, #tpu.memory_space<vmem_shared>> -> memref<640x128xf32, #tpu.memory_space<vmem_shared>>
        tpu.wait_dma2 semaphore(%run_scoped3A : memref<!tpu.dma_semaphore, #tpu.memory_space<semaphore_mem>>) src(%dma_wait3A_32 : memref<640x128xf32, #tpu.memory_space<vmem_shared>>) dst(%dma_wait3A_30 : memref<640x128xf32, #tpu.memory_space<hbm>>)
        tpu.yield
      }) : () -> ()
    } else {
    }
    return
  }
}

#map = affine_map<(d0, d1) -> (0, 0)>
module attributes {stable_mosaic.version = 14 : i64} {
  func.func @_sc_agg_body(%arg0: i32, %arg1: i32, %arg2: memref<10000x128xf32, #tpu.memory_space<hbm>>, %arg3: memref<10000x128xf32, #tpu.memory_space<hbm>>, %arg4: memref<1280x128xi32, #tpu.memory_space<hbm>>, %arg5: memref<1280x128xi32, #tpu.memory_space<hbm>>, %arg6: memref<128x128xf32, #tpu.memory_space<hbm>>, %arg7: memref<10240x128xf32, #tpu.memory_space<hbm>>, %arg8: memref<10240x128xf32, #tpu.memory_space<hbm>>, %arg9: memref<128xi32, #tpu.memory_space<vmem>>, %arg10: memref<128xi32, #tpu.memory_space<vmem>>, %arg11: memref<80x128xi32, #tpu.memory_space<vmem>>, %arg12: memref<128x128xf32, #tpu.memory_space<vmem>>, %arg13: memref<128x128xf32, #tpu.memory_space<vmem>>, %arg14: memref<10240x128xf32, #tpu.memory_space<vmem_shared>>, %arg15: memref<!tpu.dma_semaphore, #tpu.memory_space<semaphore_mem>>, %arg16: memref<!tpu.dma_semaphore, #tpu.memory_space<semaphore_mem>>) attributes {dimension_semantics = [#tpu.dimension_semantics<core_parallel>, #tpu.dimension_semantics<subcore_parallel>], iteration_bounds = array<i64: 2, 16>, scalar_prefetch = 0 : i64, scratch_operands = 8 : i64, tpu.core_type = #tpu.core_type<sc_vector_subcore>, window_params = [{transform_indices = #map}, {transform_indices = #map}, {transform_indices = #map}, {transform_indices = #map}, {transform_indices = #map}, {transform_indices = #map}, {transform_indices = #map}]} {
    %eq3A = arith.constant 0 : i32
    %eq3A_0 = arith.cmpi eq, %arg0, %eq3A : i32
    %convert_element_type3A = arith.extui %eq3A_0 : i1 to i32
    %cond3A = arith.constant 0 : i32
    %cond3A_1 = arith.cmpi ne, %convert_element_type3A, %cond3A : i32
    scf.if %cond3A_1 {
      %mul3A = arith.constant 80 : i32
      %mul3A_7 = arith.muli %arg1, %mul3A : i32
      "tpu.region"() ({
        %run_scoped3A = tpu.sem_alloc : memref<!tpu.dma_semaphore, #tpu.memory_space<semaphore_mem>>
        %dma_start3A_26 = arith.constant 0 : i32
        %dma_start3A_27 = tpu.memref_slice %arg5[%mul3A_7, %dma_start3A_26] : memref<1280x128xi32, #tpu.memory_space<hbm>> -> memref<80x128xi32, #tpu.memory_space<hbm>>
        %dma_start3A_28 = arith.constant 0 : i32
        %dma_start3A_29 = tpu.memref_slice %arg5[%mul3A_7, %dma_start3A_28] : memref<1280x128xi32, #tpu.memory_space<hbm>> -> memref<80x128xi32, #tpu.memory_space<hbm>>
        tpu.enqueue_dma source(%dma_start3A_29 : memref<80x128xi32, #tpu.memory_space<hbm>>) target(%arg11 : memref<80x128xi32, #tpu.memory_space<vmem>>) target_semaphore(%run_scoped3A : memref<!tpu.dma_semaphore, #tpu.memory_space<semaphore_mem>>)
        %dma_wait3A = arith.constant 0 : i32
        %dma_wait3A_30 = tpu.memref_slice %arg5[%mul3A_7, %dma_wait3A] : memref<1280x128xi32, #tpu.memory_space<hbm>> -> memref<80x128xi32, #tpu.memory_space<hbm>>
        %dma_wait3A_31 = arith.constant 0 : i32
        %dma_wait3A_32 = tpu.memref_slice %arg5[%mul3A_7, %dma_wait3A_31] : memref<1280x128xi32, #tpu.memory_space<hbm>> -> memref<80x128xi32, #tpu.memory_space<hbm>>
        tpu.wait_dma2 semaphore(%run_scoped3A : memref<!tpu.dma_semaphore, #tpu.memory_space<semaphore_mem>>) src(%dma_wait3A_32 : memref<80x128xi32, #tpu.memory_space<hbm>>) dst(%arg11 : memref<80x128xi32, #tpu.memory_space<vmem>>)
        tpu.yield
      }) : () -> ()
      "tpu.region"() ({
        %run_scoped3A = tpu.sem_alloc : memref<!tpu.dma_semaphore, #tpu.memory_space<semaphore_mem>>
        tpu.enqueue_dma source(%arg6 : memref<128x128xf32, #tpu.memory_space<hbm>>) target(%arg12 : memref<128x128xf32, #tpu.memory_space<vmem>>) target_semaphore(%run_scoped3A : memref<!tpu.dma_semaphore, #tpu.memory_space<semaphore_mem>>)
        tpu.wait_dma2 semaphore(%run_scoped3A : memref<!tpu.dma_semaphore, #tpu.memory_space<semaphore_mem>>) src(%arg6 : memref<128x128xf32, #tpu.memory_space<hbm>>) dst(%arg12 : memref<128x128xf32, #tpu.memory_space<vmem>>)
        tpu.yield
      }) : () -> ()
      %scan3A = arith.constant 0 : i32
      %scan3A_8 = arith.constant 0 : i32
      %scan3A_9 = arith.constant 5 : i32
      %scan3A_10 = arith.addi %scan3A_8, %scan3A_9 : i32
      %scan3A_11 = arith.constant 1 : i32
      scf.for %scan3A_26 = %scan3A_8 to %scan3A_10 step %scan3A_11  : i32 {
        %mul3A_27 = arith.constant 5 : i32
        %mul3A_28 = arith.muli %arg1, %mul3A_27 : i32
        %add3A = arith.addi %mul3A_28, %scan3A_26 : i32
        %mul3A_29 = arith.constant 128 : i32
        %mul3A_30 = arith.muli %add3A, %mul3A_29 : i32
        %multiple_of3A_31 = tpu.assume_multiple %mul3A_30, 128 : i32
        "tpu.region"() ({
          %run_scoped3A = tpu.sem_alloc : memref<!tpu.dma_semaphore, #tpu.memory_space<semaphore_mem>>
          %dma_start3A_32 = arith.constant 0 : i32
          %dma_start3A_33 = tpu.memref_slice %arg14[%multiple_of3A_31, %dma_start3A_32] : memref<10240x128xf32, #tpu.memory_space<vmem_shared>> -> memref<128x128xf32, #tpu.memory_space<vmem_shared>>
          %dma_start3A_34 = arith.constant 0 : i32
          %dma_start3A_35 = tpu.memref_slice %arg14[%multiple_of3A_31, %dma_start3A_34] : memref<10240x128xf32, #tpu.memory_space<vmem_shared>> -> memref<128x128xf32, #tpu.memory_space<vmem_shared>>
          tpu.enqueue_dma source(%arg12 : memref<128x128xf32, #tpu.memory_space<vmem>>) target(%dma_start3A_35 : memref<128x128xf32, #tpu.memory_space<vmem_shared>>) target_semaphore(%run_scoped3A : memref<!tpu.dma_semaphore, #tpu.memory_space<semaphore_mem>>)
          %dma_wait3A = arith.constant 0 : i32
          %dma_wait3A_36 = tpu.memref_slice %arg14[%multiple_of3A_31, %dma_wait3A] : memref<10240x128xf32, #tpu.memory_space<vmem_shared>> -> memref<128x128xf32, #tpu.memory_space<vmem_shared>>
          %dma_wait3A_37 = arith.constant 0 : i32
          %dma_wait3A_38 = tpu.memref_slice %arg14[%multiple_of3A_31, %dma_wait3A_37] : memref<10240x128xf32, #tpu.memory_space<vmem_shared>> -> memref<128x128xf32, #tpu.memory_space<vmem_shared>>
          tpu.wait_dma2 semaphore(%run_scoped3A : memref<!tpu.dma_semaphore, #tpu.memory_space<semaphore_mem>>) src(%arg12 : memref<128x128xf32, #tpu.memory_space<vmem>>) dst(%dma_wait3A_38 : memref<128x128xf32, #tpu.memory_space<vmem_shared>>)
          tpu.yield
        }) : () -> ()
      }
      %scan3A_12 = arith.constant 5 : i32
      %barrier3A = arith.constant 0 : index
      tpu.barrier barrier_id(%barrier3A)
      %mul3A_13 = arith.constant 80 : i32
      %mul3A_14 = arith.muli %arg1, %mul3A_13 : i32
      "tpu.region"() ({
        %run_scoped3A = tpu.sem_alloc : memref<!tpu.dma_semaphore, #tpu.memory_space<semaphore_mem>>
        %dma_start3A_26 = arith.constant 0 : i32
        %dma_start3A_27 = tpu.memref_slice %arg4[%mul3A_14, %dma_start3A_26] : memref<1280x128xi32, #tpu.memory_space<hbm>> -> memref<1x128xi32, #tpu.memory_space<hbm>>
        %dma_start3A_28 = tpu.memref_squeeze %dma_start3A_27 : memref<1x128xi32, #tpu.memory_space<hbm>> -> memref<128xi32, #tpu.memory_space<hbm>>
        %dma_start3A_29 = arith.constant 0 : i32
        %dma_start3A_30 = tpu.memref_slice %arg4[%mul3A_14, %dma_start3A_29] : memref<1280x128xi32, #tpu.memory_space<hbm>> -> memref<1x128xi32, #tpu.memory_space<hbm>>
        %dma_start3A_31 = tpu.memref_squeeze %dma_start3A_30 : memref<1x128xi32, #tpu.memory_space<hbm>> -> memref<128xi32, #tpu.memory_space<hbm>>
        tpu.enqueue_dma source(%dma_start3A_31 : memref<128xi32, #tpu.memory_space<hbm>>) target(%arg9 : memref<128xi32, #tpu.memory_space<vmem>>) target_semaphore(%run_scoped3A : memref<!tpu.dma_semaphore, #tpu.memory_space<semaphore_mem>>)
        %dma_wait3A = arith.constant 0 : i32
        %dma_wait3A_32 = tpu.memref_slice %arg4[%mul3A_14, %dma_wait3A] : memref<1280x128xi32, #tpu.memory_space<hbm>> -> memref<1x128xi32, #tpu.memory_space<hbm>>
        %dma_wait3A_33 = tpu.memref_squeeze %dma_wait3A_32 : memref<1x128xi32, #tpu.memory_space<hbm>> -> memref<128xi32, #tpu.memory_space<hbm>>
        %dma_wait3A_34 = arith.constant 0 : i32
        %dma_wait3A_35 = tpu.memref_slice %arg4[%mul3A_14, %dma_wait3A_34] : memref<1280x128xi32, #tpu.memory_space<hbm>> -> memref<1x128xi32, #tpu.memory_space<hbm>>
        %dma_wait3A_36 = tpu.memref_squeeze %dma_wait3A_35 : memref<1x128xi32, #tpu.memory_space<hbm>> -> memref<128xi32, #tpu.memory_space<hbm>>
        tpu.wait_dma2 semaphore(%run_scoped3A : memref<!tpu.dma_semaphore, #tpu.memory_space<semaphore_mem>>) src(%dma_wait3A_36 : memref<128xi32, #tpu.memory_space<hbm>>) dst(%arg9 : memref<128xi32, #tpu.memory_space<vmem>>)
        tpu.yield
      }) : () -> ()
      %dma_start3A = arith.constant 0 : i32
      %dma_start3A_15 = arith.constant 0 : i32
      %dma_start3A_16 = tpu.memref_slice %arg2[%dma_start3A, %dma_start3A_15] : memref<10000x128xf32, #tpu.memory_space<hbm>> -> memref<10000x128xf32, #tpu.memory_space<hbm>>
      tpu.enqueue_indirect_dma source(%dma_start3A_16 : memref<10000x128xf32, #tpu.memory_space<hbm>>) target(%arg12 : memref<128x128xf32, #tpu.memory_space<vmem>>) offsets(%arg9 : memref<128xi32, #tpu.memory_space<vmem>>) semaphore(%arg15 : memref<!tpu.dma_semaphore, #tpu.memory_space<semaphore_mem>>)
      %scan3A_17 = arith.constant 0 : i32
      %scan3A_18 = arith.constant 0 : i32
      %scan3A_19 = arith.constant 40 : i32
      %scan3A_20 = arith.addi %scan3A_18, %scan3A_19 : i32
      %scan3A_21 = arith.constant 1 : i32
      scf.for %scan3A_26 = %scan3A_18 to %scan3A_20 step %scan3A_21  : i32 {
        %mul3A_27 = arith.constant 2 : i32
        %mul3A_28 = arith.muli %mul3A_27, %scan3A_26 : i32
        %add3A = arith.constant 1 : i32
        %add3A_29 = arith.addi %mul3A_28, %add3A : i32
        %mul3A_30 = arith.constant 80 : i32
        %mul3A_31 = arith.muli %arg1, %mul3A_30 : i32
        %add3A_32 = arith.addi %mul3A_31, %add3A_29 : i32
        "tpu.region"() ({
          %run_scoped3A = tpu.sem_alloc : memref<!tpu.dma_semaphore, #tpu.memory_space<semaphore_mem>>
          %dma_start3A_45 = arith.constant 0 : i32
          %dma_start3A_46 = tpu.memref_slice %arg4[%add3A_32, %dma_start3A_45] : memref<1280x128xi32, #tpu.memory_space<hbm>> -> memref<1x128xi32, #tpu.memory_space<hbm>>
          %dma_start3A_47 = tpu.memref_squeeze %dma_start3A_46 : memref<1x128xi32, #tpu.memory_space<hbm>> -> memref<128xi32, #tpu.memory_space<hbm>>
          %dma_start3A_48 = arith.constant 0 : i32
          %dma_start3A_49 = tpu.memref_slice %arg4[%add3A_32, %dma_start3A_48] : memref<1280x128xi32, #tpu.memory_space<hbm>> -> memref<1x128xi32, #tpu.memory_space<hbm>>
          %dma_start3A_50 = tpu.memref_squeeze %dma_start3A_49 : memref<1x128xi32, #tpu.memory_space<hbm>> -> memref<128xi32, #tpu.memory_space<hbm>>
          tpu.enqueue_dma source(%dma_start3A_50 : memref<128xi32, #tpu.memory_space<hbm>>) target(%arg10 : memref<128xi32, #tpu.memory_space<vmem>>) target_semaphore(%run_scoped3A : memref<!tpu.dma_semaphore, #tpu.memory_space<semaphore_mem>>)
          %dma_wait3A_51 = arith.constant 0 : i32
          %dma_wait3A_52 = tpu.memref_slice %arg4[%add3A_32, %dma_wait3A_51] : memref<1280x128xi32, #tpu.memory_space<hbm>> -> memref<1x128xi32, #tpu.memory_space<hbm>>
          %dma_wait3A_53 = tpu.memref_squeeze %dma_wait3A_52 : memref<1x128xi32, #tpu.memory_space<hbm>> -> memref<128xi32, #tpu.memory_space<hbm>>
          %dma_wait3A_54 = arith.constant 0 : i32
          %dma_wait3A_55 = tpu.memref_slice %arg4[%add3A_32, %dma_wait3A_54] : memref<1280x128xi32, #tpu.memory_space<hbm>> -> memref<1x128xi32, #tpu.memory_space<hbm>>
          %dma_wait3A_56 = tpu.memref_squeeze %dma_wait3A_55 : memref<1x128xi32, #tpu.memory_space<hbm>> -> memref<128xi32, #tpu.memory_space<hbm>>
          tpu.wait_dma2 semaphore(%run_scoped3A : memref<!tpu.dma_semaphore, #tpu.memory_space<semaphore_mem>>) src(%dma_wait3A_56 : memref<128xi32, #tpu.memory_space<hbm>>) dst(%arg10 : memref<128xi32, #tpu.memory_space<vmem>>)
          tpu.yield
        }) : () -> ()
        %dma_start3A_33 = arith.constant 0 : i32
        %dma_start3A_34 = arith.constant 0 : i32
        %dma_start3A_35 = tpu.memref_slice %arg2[%dma_start3A_33, %dma_start3A_34] : memref<10000x128xf32, #tpu.memory_space<hbm>> -> memref<10000x128xf32, #tpu.memory_space<hbm>>
        tpu.enqueue_indirect_dma source(%dma_start3A_35 : memref<10000x128xf32, #tpu.memory_space<hbm>>) target(%arg13 : memref<128x128xf32, #tpu.memory_space<vmem>>) offsets(%arg10 : memref<128xi32, #tpu.memory_space<vmem>>) semaphore(%arg16 : memref<!tpu.dma_semaphore, #tpu.memory_space<semaphore_mem>>)
        %dma_wait3A = arith.constant 0 : i32
        %dma_wait3A_36 = arith.constant 0 : i32
        %dma_wait3A_37 = tpu.memref_slice %arg2[%dma_wait3A, %dma_wait3A_36] : memref<10000x128xf32, #tpu.memory_space<hbm>> -> memref<10000x128xf32, #tpu.memory_space<hbm>>
        tpu.wait_indirect_dma semaphore(%arg15 : memref<!tpu.dma_semaphore, #tpu.memory_space<semaphore_mem>>) src(%dma_wait3A_37 : memref<10000x128xf32, #tpu.memory_space<hbm>>) dst(%arg12 : memref<128x128xf32, #tpu.memory_space<vmem>>)
        "tpu.region"() ({
          %run_scoped3A = tpu.sem_alloc : memref<!tpu.dma_semaphore, #tpu.memory_space<semaphore_mem>>
          %dma_start3A_45 = arith.constant 0 : i32
          %dma_start3A_46 = tpu.memref_slice %arg11[%mul3A_28, %dma_start3A_45] : memref<80x128xi32, #tpu.memory_space<vmem>> -> memref<1x128xi32, #tpu.memory_space<vmem>>
          %dma_start3A_47 = tpu.memref_squeeze %dma_start3A_46 : memref<1x128xi32, #tpu.memory_space<vmem>> -> memref<128xi32, #tpu.memory_space<vmem>>
          %dma_start3A_48 = arith.constant 0 : i32
          %dma_start3A_49 = arith.constant 0 : i32
          %dma_start3A_50 = tpu.memref_slice %arg14[%dma_start3A_48, %dma_start3A_49] : memref<10240x128xf32, #tpu.memory_space<vmem_shared>> -> memref<10240x128xf32, #tpu.memory_space<vmem_shared>>
          tpu.enqueue_indirect_dma source(%arg12 : memref<128x128xf32, #tpu.memory_space<vmem>>) target(%dma_start3A_50 : memref<10240x128xf32, #tpu.memory_space<vmem_shared>>) offsets(%dma_start3A_47 : memref<128xi32, #tpu.memory_space<vmem>>) semaphore(%run_scoped3A : memref<!tpu.dma_semaphore, #tpu.memory_space<semaphore_mem>>) {add = true}
          %dma_wait3A_51 = arith.constant 0 : i32
          %dma_wait3A_52 = tpu.memref_slice %arg11[%mul3A_28, %dma_wait3A_51] : memref<80x128xi32, #tpu.memory_space<vmem>> -> memref<1x128xi32, #tpu.memory_space<vmem>>
          %dma_wait3A_53 = tpu.memref_squeeze %dma_wait3A_52 : memref<1x128xi32, #tpu.memory_space<vmem>> -> memref<128xi32, #tpu.memory_space<vmem>>
          %dma_wait3A_54 = arith.constant 0 : i32
          %dma_wait3A_55 = arith.constant 0 : i32
          %dma_wait3A_56 = tpu.memref_slice %arg14[%dma_wait3A_54, %dma_wait3A_55] : memref<10240x128xf32, #tpu.memory_space<vmem_shared>> -> memref<10240x128xf32, #tpu.memory_space<vmem_shared>>
          tpu.wait_indirect_dma semaphore(%run_scoped3A : memref<!tpu.dma_semaphore, #tpu.memory_space<semaphore_mem>>) src(%arg12 : memref<128x128xf32, #tpu.memory_space<vmem>>) dst(%dma_wait3A_56 : memref<10240x128xf32, #tpu.memory_space<vmem_shared>>)
          tpu.yield
        }) : () -> ()
        %lt3A = arith.constant 39 : i32
        %lt3A_38 = arith.cmpi slt, %scan3A_26, %lt3A : i32
        %convert_element_type3A_39 = arith.extui %lt3A_38 : i1 to i32
        %cond3A_40 = arith.constant 0 : i32
        %cond3A_41 = arith.cmpi ne, %convert_element_type3A_39, %cond3A_40 : i32
        scf.if %cond3A_41 {
          %mul3A_45 = arith.constant 80 : i32
          %mul3A_46 = arith.muli %arg1, %mul3A_45 : i32
          %add3A_47 = arith.addi %mul3A_46, %mul3A_28 : i32
          %add3A_48 = arith.constant 2 : i32
          %add3A_49 = arith.addi %add3A_47, %add3A_48 : i32
          "tpu.region"() ({
            %run_scoped3A = tpu.sem_alloc : memref<!tpu.dma_semaphore, #tpu.memory_space<semaphore_mem>>
            %dma_start3A_53 = arith.constant 0 : i32
            %dma_start3A_54 = tpu.memref_slice %arg4[%add3A_49, %dma_start3A_53] : memref<1280x128xi32, #tpu.memory_space<hbm>> -> memref<1x128xi32, #tpu.memory_space<hbm>>
            %dma_start3A_55 = tpu.memref_squeeze %dma_start3A_54 : memref<1x128xi32, #tpu.memory_space<hbm>> -> memref<128xi32, #tpu.memory_space<hbm>>
            %dma_start3A_56 = arith.constant 0 : i32
            %dma_start3A_57 = tpu.memref_slice %arg4[%add3A_49, %dma_start3A_56] : memref<1280x128xi32, #tpu.memory_space<hbm>> -> memref<1x128xi32, #tpu.memory_space<hbm>>
            %dma_start3A_58 = tpu.memref_squeeze %dma_start3A_57 : memref<1x128xi32, #tpu.memory_space<hbm>> -> memref<128xi32, #tpu.memory_space<hbm>>
            tpu.enqueue_dma source(%dma_start3A_58 : memref<128xi32, #tpu.memory_space<hbm>>) target(%arg9 : memref<128xi32, #tpu.memory_space<vmem>>) target_semaphore(%run_scoped3A : memref<!tpu.dma_semaphore, #tpu.memory_space<semaphore_mem>>)
            %dma_wait3A_59 = arith.constant 0 : i32
            %dma_wait3A_60 = tpu.memref_slice %arg4[%add3A_49, %dma_wait3A_59] : memref<1280x128xi32, #tpu.memory_space<hbm>> -> memref<1x128xi32, #tpu.memory_space<hbm>>
            %dma_wait3A_61 = tpu.memref_squeeze %dma_wait3A_60 : memref<1x128xi32, #tpu.memory_space<hbm>> -> memref<128xi32, #tpu.memory_space<hbm>>
            %dma_wait3A_62 = arith.constant 0 : i32
            %dma_wait3A_63 = tpu.memref_slice %arg4[%add3A_49, %dma_wait3A_62] : memref<1280x128xi32, #tpu.memory_space<hbm>> -> memref<1x128xi32, #tpu.memory_space<hbm>>
            %dma_wait3A_64 = tpu.memref_squeeze %dma_wait3A_63 : memref<1x128xi32, #tpu.memory_space<hbm>> -> memref<128xi32, #tpu.memory_space<hbm>>
            tpu.wait_dma2 semaphore(%run_scoped3A : memref<!tpu.dma_semaphore, #tpu.memory_space<semaphore_mem>>) src(%dma_wait3A_64 : memref<128xi32, #tpu.memory_space<hbm>>) dst(%arg9 : memref<128xi32, #tpu.memory_space<vmem>>)
            tpu.yield
          }) : () -> ()
          %dma_start3A_50 = arith.constant 0 : i32
          %dma_start3A_51 = arith.constant 0 : i32
          %dma_start3A_52 = tpu.memref_slice %arg2[%dma_start3A_50, %dma_start3A_51] : memref<10000x128xf32, #tpu.memory_space<hbm>> -> memref<10000x128xf32, #tpu.memory_space<hbm>>
          tpu.enqueue_indirect_dma source(%dma_start3A_52 : memref<10000x128xf32, #tpu.memory_space<hbm>>) target(%arg12 : memref<128x128xf32, #tpu.memory_space<vmem>>) offsets(%arg9 : memref<128xi32, #tpu.memory_space<vmem>>) semaphore(%arg15 : memref<!tpu.dma_semaphore, #tpu.memory_space<semaphore_mem>>)
        } else {
        }
        %dma_wait3A_42 = arith.constant 0 : i32
        %dma_wait3A_43 = arith.constant 0 : i32
        %dma_wait3A_44 = tpu.memref_slice %arg2[%dma_wait3A_42, %dma_wait3A_43] : memref<10000x128xf32, #tpu.memory_space<hbm>> -> memref<10000x128xf32, #tpu.memory_space<hbm>>
        tpu.wait_indirect_dma semaphore(%arg16 : memref<!tpu.dma_semaphore, #tpu.memory_space<semaphore_mem>>) src(%dma_wait3A_44 : memref<10000x128xf32, #tpu.memory_space<hbm>>) dst(%arg13 : memref<128x128xf32, #tpu.memory_space<vmem>>)
        "tpu.region"() ({
          %run_scoped3A = tpu.sem_alloc : memref<!tpu.dma_semaphore, #tpu.memory_space<semaphore_mem>>
          %dma_start3A_45 = arith.constant 0 : i32
          %dma_start3A_46 = tpu.memref_slice %arg11[%add3A_29, %dma_start3A_45] : memref<80x128xi32, #tpu.memory_space<vmem>> -> memref<1x128xi32, #tpu.memory_space<vmem>>
          %dma_start3A_47 = tpu.memref_squeeze %dma_start3A_46 : memref<1x128xi32, #tpu.memory_space<vmem>> -> memref<128xi32, #tpu.memory_space<vmem>>
          %dma_start3A_48 = arith.constant 0 : i32
          %dma_start3A_49 = arith.constant 0 : i32
          %dma_start3A_50 = tpu.memref_slice %arg14[%dma_start3A_48, %dma_start3A_49] : memref<10240x128xf32, #tpu.memory_space<vmem_shared>> -> memref<10240x128xf32, #tpu.memory_space<vmem_shared>>
          tpu.enqueue_indirect_dma source(%arg13 : memref<128x128xf32, #tpu.memory_space<vmem>>) target(%dma_start3A_50 : memref<10240x128xf32, #tpu.memory_space<vmem_shared>>) offsets(%dma_start3A_47 : memref<128xi32, #tpu.memory_space<vmem>>) semaphore(%run_scoped3A : memref<!tpu.dma_semaphore, #tpu.memory_space<semaphore_mem>>) {add = true}
          %dma_wait3A_51 = arith.constant 0 : i32
          %dma_wait3A_52 = tpu.memref_slice %arg11[%add3A_29, %dma_wait3A_51] : memref<80x128xi32, #tpu.memory_space<vmem>> -> memref<1x128xi32, #tpu.memory_space<vmem>>
          %dma_wait3A_53 = tpu.memref_squeeze %dma_wait3A_52 : memref<1x128xi32, #tpu.memory_space<vmem>> -> memref<128xi32, #tpu.memory_space<vmem>>
          %dma_wait3A_54 = arith.constant 0 : i32
          %dma_wait3A_55 = arith.constant 0 : i32
          %dma_wait3A_56 = tpu.memref_slice %arg14[%dma_wait3A_54, %dma_wait3A_55] : memref<10240x128xf32, #tpu.memory_space<vmem_shared>> -> memref<10240x128xf32, #tpu.memory_space<vmem_shared>>
          tpu.wait_indirect_dma semaphore(%run_scoped3A : memref<!tpu.dma_semaphore, #tpu.memory_space<semaphore_mem>>) src(%arg13 : memref<128x128xf32, #tpu.memory_space<vmem>>) dst(%dma_wait3A_56 : memref<10240x128xf32, #tpu.memory_space<vmem_shared>>)
          tpu.yield
        }) : () -> ()
      }
      %scan3A_22 = arith.constant 40 : i32
      %barrier3A_23 = arith.constant 0 : index
      tpu.barrier barrier_id(%barrier3A_23)
      %mul3A_24 = arith.constant 640 : i32
      %mul3A_25 = arith.muli %arg1, %mul3A_24 : i32
      %multiple_of3A = tpu.assume_multiple %mul3A_25, 640 : i32
      "tpu.region"() ({
        %run_scoped3A = tpu.sem_alloc : memref<!tpu.dma_semaphore, #tpu.memory_space<semaphore_mem>>
        %dma_start3A_26 = arith.constant 0 : i32
        %dma_start3A_27 = tpu.memref_slice %arg7[%multiple_of3A, %dma_start3A_26] : memref<10240x128xf32, #tpu.memory_space<hbm>> -> memref<640x128xf32, #tpu.memory_space<hbm>>
        %dma_start3A_28 = arith.constant 0 : i32
        %dma_start3A_29 = tpu.memref_slice %arg14[%multiple_of3A, %dma_start3A_28] : memref<10240x128xf32, #tpu.memory_space<vmem_shared>> -> memref<640x128xf32, #tpu.memory_space<vmem_shared>>
        tpu.enqueue_dma source(%dma_start3A_29 : memref<640x128xf32, #tpu.memory_space<vmem_shared>>) target(%dma_start3A_27 : memref<640x128xf32, #tpu.memory_space<hbm>>) target_semaphore(%run_scoped3A : memref<!tpu.dma_semaphore, #tpu.memory_space<semaphore_mem>>)
        %dma_wait3A = arith.constant 0 : i32
        %dma_wait3A_30 = tpu.memref_slice %arg7[%multiple_of3A, %dma_wait3A] : memref<10240x128xf32, #tpu.memory_space<hbm>> -> memref<640x128xf32, #tpu.memory_space<hbm>>
        %dma_wait3A_31 = arith.constant 0 : i32
        %dma_wait3A_32 = tpu.memref_slice %arg14[%multiple_of3A, %dma_wait3A_31] : memref<10240x128xf32, #tpu.memory_space<vmem_shared>> -> memref<640x128xf32, #tpu.memory_space<vmem_shared>>
        tpu.wait_dma2 semaphore(%run_scoped3A : memref<!tpu.dma_semaphore, #tpu.memory_space<semaphore_mem>>) src(%dma_wait3A_32 : memref<640x128xf32, #tpu.memory_space<vmem_shared>>) dst(%dma_wait3A_30 : memref<640x128xf32, #tpu.memory_space<hbm>>)
        tpu.yield
      }) : () -> ()
    } else {
    }
    %eq3A_2 = arith.constant 1 : i32
    %eq3A_3 = arith.cmpi eq, %arg0, %eq3A_2 : i32
    %convert_element_type3A_4 = arith.extui %eq3A_3 : i1 to i32
    %cond3A_5 = arith.constant 0 : i32
    %cond3A_6 = arith.cmpi ne, %convert_element_type3A_4, %cond3A_5 : i32
    scf.if %cond3A_6 {
      %mul3A = arith.constant 80 : i32
      %mul3A_7 = arith.muli %arg1, %mul3A : i32
      "tpu.region"() ({
        %run_scoped3A = tpu.sem_alloc : memref<!tpu.dma_semaphore, #tpu.memory_space<semaphore_mem>>
        %dma_start3A_26 = arith.constant 0 : i32
        %dma_start3A_27 = tpu.memref_slice %arg5[%mul3A_7, %dma_start3A_26] : memref<1280x128xi32, #tpu.memory_space<hbm>> -> memref<80x128xi32, #tpu.memory_space<hbm>>
        %dma_start3A_28 = arith.constant 0 : i32
        %dma_start3A_29 = tpu.memref_slice %arg5[%mul3A_7, %dma_start3A_28] : memref<1280x128xi32, #tpu.memory_space<hbm>> -> memref<80x128xi32, #tpu.memory_space<hbm>>
        tpu.enqueue_dma source(%dma_start3A_29 : memref<80x128xi32, #tpu.memory_space<hbm>>) target(%arg11 : memref<80x128xi32, #tpu.memory_space<vmem>>) target_semaphore(%run_scoped3A : memref<!tpu.dma_semaphore, #tpu.memory_space<semaphore_mem>>)
        %dma_wait3A = arith.constant 0 : i32
        %dma_wait3A_30 = tpu.memref_slice %arg5[%mul3A_7, %dma_wait3A] : memref<1280x128xi32, #tpu.memory_space<hbm>> -> memref<80x128xi32, #tpu.memory_space<hbm>>
        %dma_wait3A_31 = arith.constant 0 : i32
        %dma_wait3A_32 = tpu.memref_slice %arg5[%mul3A_7, %dma_wait3A_31] : memref<1280x128xi32, #tpu.memory_space<hbm>> -> memref<80x128xi32, #tpu.memory_space<hbm>>
        tpu.wait_dma2 semaphore(%run_scoped3A : memref<!tpu.dma_semaphore, #tpu.memory_space<semaphore_mem>>) src(%dma_wait3A_32 : memref<80x128xi32, #tpu.memory_space<hbm>>) dst(%arg11 : memref<80x128xi32, #tpu.memory_space<vmem>>)
        tpu.yield
      }) : () -> ()
      "tpu.region"() ({
        %run_scoped3A = tpu.sem_alloc : memref<!tpu.dma_semaphore, #tpu.memory_space<semaphore_mem>>
        tpu.enqueue_dma source(%arg6 : memref<128x128xf32, #tpu.memory_space<hbm>>) target(%arg12 : memref<128x128xf32, #tpu.memory_space<vmem>>) target_semaphore(%run_scoped3A : memref<!tpu.dma_semaphore, #tpu.memory_space<semaphore_mem>>)
        tpu.wait_dma2 semaphore(%run_scoped3A : memref<!tpu.dma_semaphore, #tpu.memory_space<semaphore_mem>>) src(%arg6 : memref<128x128xf32, #tpu.memory_space<hbm>>) dst(%arg12 : memref<128x128xf32, #tpu.memory_space<vmem>>)
        tpu.yield
      }) : () -> ()
      %scan3A = arith.constant 0 : i32
      %scan3A_8 = arith.constant 0 : i32
      %scan3A_9 = arith.constant 5 : i32
      %scan3A_10 = arith.addi %scan3A_8, %scan3A_9 : i32
      %scan3A_11 = arith.constant 1 : i32
      scf.for %scan3A_26 = %scan3A_8 to %scan3A_10 step %scan3A_11  : i32 {
        %mul3A_27 = arith.constant 5 : i32
        %mul3A_28 = arith.muli %arg1, %mul3A_27 : i32
        %add3A = arith.addi %mul3A_28, %scan3A_26 : i32
        %mul3A_29 = arith.constant 128 : i32
        %mul3A_30 = arith.muli %add3A, %mul3A_29 : i32
        %multiple_of3A_31 = tpu.assume_multiple %mul3A_30, 128 : i32
        "tpu.region"() ({
          %run_scoped3A = tpu.sem_alloc : memref<!tpu.dma_semaphore, #tpu.memory_space<semaphore_mem>>
          %dma_start3A_32 = arith.constant 0 : i32
          %dma_start3A_33 = tpu.memref_slice %arg14[%multiple_of3A_31, %dma_start3A_32] : memref<10240x128xf32, #tpu.memory_space<vmem_shared>> -> memref<128x128xf32, #tpu.memory_space<vmem_shared>>
          %dma_start3A_34 = arith.constant 0 : i32
          %dma_start3A_35 = tpu.memref_slice %arg14[%multiple_of3A_31, %dma_start3A_34] : memref<10240x128xf32, #tpu.memory_space<vmem_shared>> -> memref<128x128xf32, #tpu.memory_space<vmem_shared>>
          tpu.enqueue_dma source(%arg12 : memref<128x128xf32, #tpu.memory_space<vmem>>) target(%dma_start3A_35 : memref<128x128xf32, #tpu.memory_space<vmem_shared>>) target_semaphore(%run_scoped3A : memref<!tpu.dma_semaphore, #tpu.memory_space<semaphore_mem>>)
          %dma_wait3A = arith.constant 0 : i32
          %dma_wait3A_36 = tpu.memref_slice %arg14[%multiple_of3A_31, %dma_wait3A] : memref<10240x128xf32, #tpu.memory_space<vmem_shared>> -> memref<128x128xf32, #tpu.memory_space<vmem_shared>>
          %dma_wait3A_37 = arith.constant 0 : i32
          %dma_wait3A_38 = tpu.memref_slice %arg14[%multiple_of3A_31, %dma_wait3A_37] : memref<10240x128xf32, #tpu.memory_space<vmem_shared>> -> memref<128x128xf32, #tpu.memory_space<vmem_shared>>
          tpu.wait_dma2 semaphore(%run_scoped3A : memref<!tpu.dma_semaphore, #tpu.memory_space<semaphore_mem>>) src(%arg12 : memref<128x128xf32, #tpu.memory_space<vmem>>) dst(%dma_wait3A_38 : memref<128x128xf32, #tpu.memory_space<vmem_shared>>)
          tpu.yield
        }) : () -> ()
      }
      %scan3A_12 = arith.constant 5 : i32
      %barrier3A = arith.constant 0 : index
      tpu.barrier barrier_id(%barrier3A)
      %mul3A_13 = arith.constant 80 : i32
      %mul3A_14 = arith.muli %arg1, %mul3A_13 : i32
      "tpu.region"() ({
        %run_scoped3A = tpu.sem_alloc : memref<!tpu.dma_semaphore, #tpu.memory_space<semaphore_mem>>
        %dma_start3A_26 = arith.constant 0 : i32
        %dma_start3A_27 = tpu.memref_slice %arg4[%mul3A_14, %dma_start3A_26] : memref<1280x128xi32, #tpu.memory_space<hbm>> -> memref<1x128xi32, #tpu.memory_space<hbm>>
        %dma_start3A_28 = tpu.memref_squeeze %dma_start3A_27 : memref<1x128xi32, #tpu.memory_space<hbm>> -> memref<128xi32, #tpu.memory_space<hbm>>
        %dma_start3A_29 = arith.constant 0 : i32
        %dma_start3A_30 = tpu.memref_slice %arg4[%mul3A_14, %dma_start3A_29] : memref<1280x128xi32, #tpu.memory_space<hbm>> -> memref<1x128xi32, #tpu.memory_space<hbm>>
        %dma_start3A_31 = tpu.memref_squeeze %dma_start3A_30 : memref<1x128xi32, #tpu.memory_space<hbm>> -> memref<128xi32, #tpu.memory_space<hbm>>
        tpu.enqueue_dma source(%dma_start3A_31 : memref<128xi32, #tpu.memory_space<hbm>>) target(%arg9 : memref<128xi32, #tpu.memory_space<vmem>>) target_semaphore(%run_scoped3A : memref<!tpu.dma_semaphore, #tpu.memory_space<semaphore_mem>>)
        %dma_wait3A = arith.constant 0 : i32
        %dma_wait3A_32 = tpu.memref_slice %arg4[%mul3A_14, %dma_wait3A] : memref<1280x128xi32, #tpu.memory_space<hbm>> -> memref<1x128xi32, #tpu.memory_space<hbm>>
        %dma_wait3A_33 = tpu.memref_squeeze %dma_wait3A_32 : memref<1x128xi32, #tpu.memory_space<hbm>> -> memref<128xi32, #tpu.memory_space<hbm>>
        %dma_wait3A_34 = arith.constant 0 : i32
        %dma_wait3A_35 = tpu.memref_slice %arg4[%mul3A_14, %dma_wait3A_34] : memref<1280x128xi32, #tpu.memory_space<hbm>> -> memref<1x128xi32, #tpu.memory_space<hbm>>
        %dma_wait3A_36 = tpu.memref_squeeze %dma_wait3A_35 : memref<1x128xi32, #tpu.memory_space<hbm>> -> memref<128xi32, #tpu.memory_space<hbm>>
        tpu.wait_dma2 semaphore(%run_scoped3A : memref<!tpu.dma_semaphore, #tpu.memory_space<semaphore_mem>>) src(%dma_wait3A_36 : memref<128xi32, #tpu.memory_space<hbm>>) dst(%arg9 : memref<128xi32, #tpu.memory_space<vmem>>)
        tpu.yield
      }) : () -> ()
      %dma_start3A = arith.constant 0 : i32
      %dma_start3A_15 = arith.constant 0 : i32
      %dma_start3A_16 = tpu.memref_slice %arg3[%dma_start3A, %dma_start3A_15] : memref<10000x128xf32, #tpu.memory_space<hbm>> -> memref<10000x128xf32, #tpu.memory_space<hbm>>
      tpu.enqueue_indirect_dma source(%dma_start3A_16 : memref<10000x128xf32, #tpu.memory_space<hbm>>) target(%arg12 : memref<128x128xf32, #tpu.memory_space<vmem>>) offsets(%arg9 : memref<128xi32, #tpu.memory_space<vmem>>) semaphore(%arg15 : memref<!tpu.dma_semaphore, #tpu.memory_space<semaphore_mem>>)
      %scan3A_17 = arith.constant 0 : i32
      %scan3A_18 = arith.constant 0 : i32
      %scan3A_19 = arith.constant 40 : i32
      %scan3A_20 = arith.addi %scan3A_18, %scan3A_19 : i32
      %scan3A_21 = arith.constant 1 : i32
      scf.for %scan3A_26 = %scan3A_18 to %scan3A_20 step %scan3A_21  : i32 {
        %mul3A_27 = arith.constant 2 : i32
        %mul3A_28 = arith.muli %mul3A_27, %scan3A_26 : i32
        %add3A = arith.constant 1 : i32
        %add3A_29 = arith.addi %mul3A_28, %add3A : i32
        %mul3A_30 = arith.constant 80 : i32
        %mul3A_31 = arith.muli %arg1, %mul3A_30 : i32
        %add3A_32 = arith.addi %mul3A_31, %add3A_29 : i32
        "tpu.region"() ({
          %run_scoped3A = tpu.sem_alloc : memref<!tpu.dma_semaphore, #tpu.memory_space<semaphore_mem>>
          %dma_start3A_45 = arith.constant 0 : i32
          %dma_start3A_46 = tpu.memref_slice %arg4[%add3A_32, %dma_start3A_45] : memref<1280x128xi32, #tpu.memory_space<hbm>> -> memref<1x128xi32, #tpu.memory_space<hbm>>
          %dma_start3A_47 = tpu.memref_squeeze %dma_start3A_46 : memref<1x128xi32, #tpu.memory_space<hbm>> -> memref<128xi32, #tpu.memory_space<hbm>>
          %dma_start3A_48 = arith.constant 0 : i32
          %dma_start3A_49 = tpu.memref_slice %arg4[%add3A_32, %dma_start3A_48] : memref<1280x128xi32, #tpu.memory_space<hbm>> -> memref<1x128xi32, #tpu.memory_space<hbm>>
          %dma_start3A_50 = tpu.memref_squeeze %dma_start3A_49 : memref<1x128xi32, #tpu.memory_space<hbm>> -> memref<128xi32, #tpu.memory_space<hbm>>
          tpu.enqueue_dma source(%dma_start3A_50 : memref<128xi32, #tpu.memory_space<hbm>>) target(%arg10 : memref<128xi32, #tpu.memory_space<vmem>>) target_semaphore(%run_scoped3A : memref<!tpu.dma_semaphore, #tpu.memory_space<semaphore_mem>>)
          %dma_wait3A_51 = arith.constant 0 : i32
          %dma_wait3A_52 = tpu.memref_slice %arg4[%add3A_32, %dma_wait3A_51] : memref<1280x128xi32, #tpu.memory_space<hbm>> -> memref<1x128xi32, #tpu.memory_space<hbm>>
          %dma_wait3A_53 = tpu.memref_squeeze %dma_wait3A_52 : memref<1x128xi32, #tpu.memory_space<hbm>> -> memref<128xi32, #tpu.memory_space<hbm>>
          %dma_wait3A_54 = arith.constant 0 : i32
          %dma_wait3A_55 = tpu.memref_slice %arg4[%add3A_32, %dma_wait3A_54] : memref<1280x128xi32, #tpu.memory_space<hbm>> -> memref<1x128xi32, #tpu.memory_space<hbm>>
          %dma_wait3A_56 = tpu.memref_squeeze %dma_wait3A_55 : memref<1x128xi32, #tpu.memory_space<hbm>> -> memref<128xi32, #tpu.memory_space<hbm>>
          tpu.wait_dma2 semaphore(%run_scoped3A : memref<!tpu.dma_semaphore, #tpu.memory_space<semaphore_mem>>) src(%dma_wait3A_56 : memref<128xi32, #tpu.memory_space<hbm>>) dst(%arg10 : memref<128xi32, #tpu.memory_space<vmem>>)
          tpu.yield
        }) : () -> ()
        %dma_start3A_33 = arith.constant 0 : i32
        %dma_start3A_34 = arith.constant 0 : i32
        %dma_start3A_35 = tpu.memref_slice %arg3[%dma_start3A_33, %dma_start3A_34] : memref<10000x128xf32, #tpu.memory_space<hbm>> -> memref<10000x128xf32, #tpu.memory_space<hbm>>
        tpu.enqueue_indirect_dma source(%dma_start3A_35 : memref<10000x128xf32, #tpu.memory_space<hbm>>) target(%arg13 : memref<128x128xf32, #tpu.memory_space<vmem>>) offsets(%arg10 : memref<128xi32, #tpu.memory_space<vmem>>) semaphore(%arg16 : memref<!tpu.dma_semaphore, #tpu.memory_space<semaphore_mem>>)
        %dma_wait3A = arith.constant 0 : i32
        %dma_wait3A_36 = arith.constant 0 : i32
        %dma_wait3A_37 = tpu.memref_slice %arg3[%dma_wait3A, %dma_wait3A_36] : memref<10000x128xf32, #tpu.memory_space<hbm>> -> memref<10000x128xf32, #tpu.memory_space<hbm>>
        tpu.wait_indirect_dma semaphore(%arg15 : memref<!tpu.dma_semaphore, #tpu.memory_space<semaphore_mem>>) src(%dma_wait3A_37 : memref<10000x128xf32, #tpu.memory_space<hbm>>) dst(%arg12 : memref<128x128xf32, #tpu.memory_space<vmem>>)
        "tpu.region"() ({
          %run_scoped3A = tpu.sem_alloc : memref<!tpu.dma_semaphore, #tpu.memory_space<semaphore_mem>>
          %dma_start3A_45 = arith.constant 0 : i32
          %dma_start3A_46 = tpu.memref_slice %arg11[%mul3A_28, %dma_start3A_45] : memref<80x128xi32, #tpu.memory_space<vmem>> -> memref<1x128xi32, #tpu.memory_space<vmem>>
          %dma_start3A_47 = tpu.memref_squeeze %dma_start3A_46 : memref<1x128xi32, #tpu.memory_space<vmem>> -> memref<128xi32, #tpu.memory_space<vmem>>
          %dma_start3A_48 = arith.constant 0 : i32
          %dma_start3A_49 = arith.constant 0 : i32
          %dma_start3A_50 = tpu.memref_slice %arg14[%dma_start3A_48, %dma_start3A_49] : memref<10240x128xf32, #tpu.memory_space<vmem_shared>> -> memref<10240x128xf32, #tpu.memory_space<vmem_shared>>
          tpu.enqueue_indirect_dma source(%arg12 : memref<128x128xf32, #tpu.memory_space<vmem>>) target(%dma_start3A_50 : memref<10240x128xf32, #tpu.memory_space<vmem_shared>>) offsets(%dma_start3A_47 : memref<128xi32, #tpu.memory_space<vmem>>) semaphore(%run_scoped3A : memref<!tpu.dma_semaphore, #tpu.memory_space<semaphore_mem>>) {add = true}
          %dma_wait3A_51 = arith.constant 0 : i32
          %dma_wait3A_52 = tpu.memref_slice %arg11[%mul3A_28, %dma_wait3A_51] : memref<80x128xi32, #tpu.memory_space<vmem>> -> memref<1x128xi32, #tpu.memory_space<vmem>>
          %dma_wait3A_53 = tpu.memref_squeeze %dma_wait3A_52 : memref<1x128xi32, #tpu.memory_space<vmem>> -> memref<128xi32, #tpu.memory_space<vmem>>
          %dma_wait3A_54 = arith.constant 0 : i32
          %dma_wait3A_55 = arith.constant 0 : i32
          %dma_wait3A_56 = tpu.memref_slice %arg14[%dma_wait3A_54, %dma_wait3A_55] : memref<10240x128xf32, #tpu.memory_space<vmem_shared>> -> memref<10240x128xf32, #tpu.memory_space<vmem_shared>>
          tpu.wait_indirect_dma semaphore(%run_scoped3A : memref<!tpu.dma_semaphore, #tpu.memory_space<semaphore_mem>>) src(%arg12 : memref<128x128xf32, #tpu.memory_space<vmem>>) dst(%dma_wait3A_56 : memref<10240x128xf32, #tpu.memory_space<vmem_shared>>)
          tpu.yield
        }) : () -> ()
        %lt3A = arith.constant 39 : i32
        %lt3A_38 = arith.cmpi slt, %scan3A_26, %lt3A : i32
        %convert_element_type3A_39 = arith.extui %lt3A_38 : i1 to i32
        %cond3A_40 = arith.constant 0 : i32
        %cond3A_41 = arith.cmpi ne, %convert_element_type3A_39, %cond3A_40 : i32
        scf.if %cond3A_41 {
          %mul3A_45 = arith.constant 80 : i32
          %mul3A_46 = arith.muli %arg1, %mul3A_45 : i32
          %add3A_47 = arith.addi %mul3A_46, %mul3A_28 : i32
          %add3A_48 = arith.constant 2 : i32
          %add3A_49 = arith.addi %add3A_47, %add3A_48 : i32
          "tpu.region"() ({
            %run_scoped3A = tpu.sem_alloc : memref<!tpu.dma_semaphore, #tpu.memory_space<semaphore_mem>>
            %dma_start3A_53 = arith.constant 0 : i32
            %dma_start3A_54 = tpu.memref_slice %arg4[%add3A_49, %dma_start3A_53] : memref<1280x128xi32, #tpu.memory_space<hbm>> -> memref<1x128xi32, #tpu.memory_space<hbm>>
            %dma_start3A_55 = tpu.memref_squeeze %dma_start3A_54 : memref<1x128xi32, #tpu.memory_space<hbm>> -> memref<128xi32, #tpu.memory_space<hbm>>
            %dma_start3A_56 = arith.constant 0 : i32
            %dma_start3A_57 = tpu.memref_slice %arg4[%add3A_49, %dma_start3A_56] : memref<1280x128xi32, #tpu.memory_space<hbm>> -> memref<1x128xi32, #tpu.memory_space<hbm>>
            %dma_start3A_58 = tpu.memref_squeeze %dma_start3A_57 : memref<1x128xi32, #tpu.memory_space<hbm>> -> memref<128xi32, #tpu.memory_space<hbm>>
            tpu.enqueue_dma source(%dma_start3A_58 : memref<128xi32, #tpu.memory_space<hbm>>) target(%arg9 : memref<128xi32, #tpu.memory_space<vmem>>) target_semaphore(%run_scoped3A : memref<!tpu.dma_semaphore, #tpu.memory_space<semaphore_mem>>)
            %dma_wait3A_59 = arith.constant 0 : i32
            %dma_wait3A_60 = tpu.memref_slice %arg4[%add3A_49, %dma_wait3A_59] : memref<1280x128xi32, #tpu.memory_space<hbm>> -> memref<1x128xi32, #tpu.memory_space<hbm>>
            %dma_wait3A_61 = tpu.memref_squeeze %dma_wait3A_60 : memref<1x128xi32, #tpu.memory_space<hbm>> -> memref<128xi32, #tpu.memory_space<hbm>>
            %dma_wait3A_62 = arith.constant 0 : i32
            %dma_wait3A_63 = tpu.memref_slice %arg4[%add3A_49, %dma_wait3A_62] : memref<1280x128xi32, #tpu.memory_space<hbm>> -> memref<1x128xi32, #tpu.memory_space<hbm>>
            %dma_wait3A_64 = tpu.memref_squeeze %dma_wait3A_63 : memref<1x128xi32, #tpu.memory_space<hbm>> -> memref<128xi32, #tpu.memory_space<hbm>>
            tpu.wait_dma2 semaphore(%run_scoped3A : memref<!tpu.dma_semaphore, #tpu.memory_space<semaphore_mem>>) src(%dma_wait3A_64 : memref<128xi32, #tpu.memory_space<hbm>>) dst(%arg9 : memref<128xi32, #tpu.memory_space<vmem>>)
            tpu.yield
          }) : () -> ()
          %dma_start3A_50 = arith.constant 0 : i32
          %dma_start3A_51 = arith.constant 0 : i32
          %dma_start3A_52 = tpu.memref_slice %arg3[%dma_start3A_50, %dma_start3A_51] : memref<10000x128xf32, #tpu.memory_space<hbm>> -> memref<10000x128xf32, #tpu.memory_space<hbm>>
          tpu.enqueue_indirect_dma source(%dma_start3A_52 : memref<10000x128xf32, #tpu.memory_space<hbm>>) target(%arg12 : memref<128x128xf32, #tpu.memory_space<vmem>>) offsets(%arg9 : memref<128xi32, #tpu.memory_space<vmem>>) semaphore(%arg15 : memref<!tpu.dma_semaphore, #tpu.memory_space<semaphore_mem>>)
        } else {
        }
        %dma_wait3A_42 = arith.constant 0 : i32
        %dma_wait3A_43 = arith.constant 0 : i32
        %dma_wait3A_44 = tpu.memref_slice %arg3[%dma_wait3A_42, %dma_wait3A_43] : memref<10000x128xf32, #tpu.memory_space<hbm>> -> memref<10000x128xf32, #tpu.memory_space<hbm>>
        tpu.wait_indirect_dma semaphore(%arg16 : memref<!tpu.dma_semaphore, #tpu.memory_space<semaphore_mem>>) src(%dma_wait3A_44 : memref<10000x128xf32, #tpu.memory_space<hbm>>) dst(%arg13 : memref<128x128xf32, #tpu.memory_space<vmem>>)
        "tpu.region"() ({
          %run_scoped3A = tpu.sem_alloc : memref<!tpu.dma_semaphore, #tpu.memory_space<semaphore_mem>>
          %dma_start3A_45 = arith.constant 0 : i32
          %dma_start3A_46 = tpu.memref_slice %arg11[%add3A_29, %dma_start3A_45] : memref<80x128xi32, #tpu.memory_space<vmem>> -> memref<1x128xi32, #tpu.memory_space<vmem>>
          %dma_start3A_47 = tpu.memref_squeeze %dma_start3A_46 : memref<1x128xi32, #tpu.memory_space<vmem>> -> memref<128xi32, #tpu.memory_space<vmem>>
          %dma_start3A_48 = arith.constant 0 : i32
          %dma_start3A_49 = arith.constant 0 : i32
          %dma_start3A_50 = tpu.memref_slice %arg14[%dma_start3A_48, %dma_start3A_49] : memref<10240x128xf32, #tpu.memory_space<vmem_shared>> -> memref<10240x128xf32, #tpu.memory_space<vmem_shared>>
          tpu.enqueue_indirect_dma source(%arg13 : memref<128x128xf32, #tpu.memory_space<vmem>>) target(%dma_start3A_50 : memref<10240x128xf32, #tpu.memory_space<vmem_shared>>) offsets(%dma_start3A_47 : memref<128xi32, #tpu.memory_space<vmem>>) semaphore(%run_scoped3A : memref<!tpu.dma_semaphore, #tpu.memory_space<semaphore_mem>>) {add = true}
          %dma_wait3A_51 = arith.constant 0 : i32
          %dma_wait3A_52 = tpu.memref_slice %arg11[%add3A_29, %dma_wait3A_51] : memref<80x128xi32, #tpu.memory_space<vmem>> -> memref<1x128xi32, #tpu.memory_space<vmem>>
          %dma_wait3A_53 = tpu.memref_squeeze %dma_wait3A_52 : memref<1x128xi32, #tpu.memory_space<vmem>> -> memref<128xi32, #tpu.memory_space<vmem>>
          %dma_wait3A_54 = arith.constant 0 : i32
          %dma_wait3A_55 = arith.constant 0 : i32
          %dma_wait3A_56 = tpu.memref_slice %arg14[%dma_wait3A_54, %dma_wait3A_55] : memref<10240x128xf32, #tpu.memory_space<vmem_shared>> -> memref<10240x128xf32, #tpu.memory_space<vmem_shared>>
          tpu.wait_indirect_dma semaphore(%run_scoped3A : memref<!tpu.dma_semaphore, #tpu.memory_space<semaphore_mem>>) src(%arg13 : memref<128x128xf32, #tpu.memory_space<vmem>>) dst(%dma_wait3A_56 : memref<10240x128xf32, #tpu.memory_space<vmem_shared>>)
          tpu.yield
        }) : () -> ()
      }
      %scan3A_22 = arith.constant 40 : i32
      %barrier3A_23 = arith.constant 0 : index
      tpu.barrier barrier_id(%barrier3A_23)
      %mul3A_24 = arith.constant 640 : i32
      %mul3A_25 = arith.muli %arg1, %mul3A_24 : i32
      %multiple_of3A = tpu.assume_multiple %mul3A_25, 640 : i32
      "tpu.region"() ({
        %run_scoped3A = tpu.sem_alloc : memref<!tpu.dma_semaphore, #tpu.memory_space<semaphore_mem>>
        %dma_start3A_26 = arith.constant 0 : i32
        %dma_start3A_27 = tpu.memref_slice %arg8[%multiple_of3A, %dma_start3A_26] : memref<10240x128xf32, #tpu.memory_space<hbm>> -> memref<640x128xf32, #tpu.memory_space<hbm>>
        %dma_start3A_28 = arith.constant 0 : i32
        %dma_start3A_29 = tpu.memref_slice %arg14[%multiple_of3A, %dma_start3A_28] : memref<10240x128xf32, #tpu.memory_space<vmem_shared>> -> memref<640x128xf32, #tpu.memory_space<vmem_shared>>
        tpu.enqueue_dma source(%dma_start3A_29 : memref<640x128xf32, #tpu.memory_space<vmem_shared>>) target(%dma_start3A_27 : memref<640x128xf32, #tpu.memory_space<hbm>>) target_semaphore(%run_scoped3A : memref<!tpu.dma_semaphore, #tpu.memory_space<semaphore_mem>>)
        %dma_wait3A = arith.constant 0 : i32
        %dma_wait3A_30 = tpu.memref_slice %arg8[%multiple_of3A, %dma_wait3A] : memref<10240x128xf32, #tpu.memory_space<hbm>> -> memref<640x128xf32, #tpu.memory_space<hbm>>
        %dma_wait3A_31 = arith.constant 0 : i32
        %dma_wait3A_32 = tpu.memref_slice %arg14[%multiple_of3A, %dma_wait3A_31] : memref<10240x128xf32, #tpu.memory_space<vmem_shared>> -> memref<640x128xf32, #tpu.memory_space<vmem_shared>>
        tpu.wait_dma2 semaphore(%run_scoped3A : memref<!tpu.dma_semaphore, #tpu.memory_space<semaphore_mem>>) src(%dma_wait3A_32 : memref<640x128xf32, #tpu.memory_space<vmem_shared>>) dst(%dma_wait3A_30 : memref<640x128xf32, #tpu.memory_space<hbm>>)
        tpu.yield
      }) : () -> ()
    } else {
    }
    return
  }
}

module attributes {stable_mosaic.version = 14 : i64} {
  func.func @_mlp1_body(%arg0: i32, %arg1: memref<1000x256xf32, #tpu.memory_space<vmem>>, %arg2: memref<1000x128xf32, #tpu.memory_space<vmem>>, %arg3: memref<1000x128xf32, #tpu.memory_space<vmem>>, %arg4: memref<256x256xf32, #tpu.memory_space<vmem>>, %arg5: memref<1x256xf32, #tpu.memory_space<vmem>>, %arg6: memref<256x256xf32, #tpu.memory_space<vmem>>, %arg7: memref<1x256xf32, #tpu.memory_space<vmem>>, %arg8: memref<1000x128xf32, #tpu.memory_space<vmem>>, %arg9: memref<1000x128xf32, #tpu.memory_space<vmem>>) attributes {dimension_semantics = [#tpu.dimension_semantics<arbitrary>], iteration_bounds = array<i64: 10>, scalar_prefetch = 0 : i64, scratch_operands = 0 : i64, tpu.core_type = #tpu.core_type<tc>, window_params = [{transform_indices = @transform_0, window_bounds = array<i64: 1000, 256>}, {transform_indices = @transform_1, window_bounds = array<i64: 1000, 128>}, {transform_indices = @transform_2, window_bounds = array<i64: 1000, 128>}, {pipeline_mode = #tpu.pipeline_mode<synchronous>, transform_indices = @transform_3, window_bounds = array<i64: 256, 256>}, {pipeline_mode = #tpu.pipeline_mode<synchronous>, transform_indices = @transform_4, window_bounds = array<i64: 1, 256>}, {pipeline_mode = #tpu.pipeline_mode<synchronous>, transform_indices = @transform_5, window_bounds = array<i64: 256, 256>}, {pipeline_mode = #tpu.pipeline_mode<synchronous>, transform_indices = @transform_6, window_bounds = array<i64: 1, 256>}, {transform_indices = @transform_7, window_bounds = array<i64: 1000, 128>}, {transform_indices = @transform_8, window_bounds = array<i64: 1000, 128>}]} {
    %get3A = arith.constant 0 : index
    %get3A_0 = arith.constant 0 : index
    %get3A_1 = vector.load %arg2[%get3A, %get3A_0] : memref<1000x128xf32, #tpu.memory_space<vmem>>, vector<1000x128xf32>
    %get3A_2 = arith.constant 0 : index
    %get3A_3 = arith.constant 0 : index
    %get3A_4 = vector.load %arg3[%get3A_2, %get3A_3] : memref<1000x128xf32, #tpu.memory_space<vmem>>, vector<1000x128xf32>
    %concatenate3A = tpu.concatenate %get3A_1, %get3A_4 in 1 : vector<1000x128xf32>, vector<1000x128xf32> -> vector<1000x256xf32>
    %get3A_5 = arith.constant 0 : index
    %get3A_6 = arith.constant 0 : index
    %get3A_7 = vector.load %arg1[%get3A_5, %get3A_6] : memref<1000x256xf32, #tpu.memory_space<vmem>>, vector<1000x256xf32>
    %add3A = arith.addf %get3A_7, %concatenate3A : vector<1000x256xf32>
    %get3A_8 = arith.constant 0 : index
    %get3A_9 = arith.constant 0 : index
    %get3A_10 = vector.load %arg4[%get3A_8, %get3A_9] : memref<256x256xf32, #tpu.memory_space<vmem>>, vector<256x256xf32>
    %dot_general3A = arith.constant dense<0.000000e+00> : vector<1000x256xf32>
    %dot_general3A_11 = tpu.matmul %add3A, %get3A_10, %dot_general3A {dimension_numbers = #tpu.dot_dimension_numbers<[1], [0], [0], [1], [0, 0, 1, 1], [], []>, transpose_lhs_hint = false} : vector<1000x256xf32>, vector<256x256xf32>, vector<1000x256xf32> -> vector<1000x256xf32>
    %get3A_12 = arith.constant 0 : index
    %get3A_13 = arith.constant 0 : index
    %get3A_14 = vector.load %arg5[%get3A_12, %get3A_13] : memref<1x256xf32, #tpu.memory_space<vmem>>, vector<1x256xf32>
    %add3A_15 = vector.broadcast %get3A_14 : vector<1x256xf32> to vector<1000x256xf32>
    %add3A_16 = arith.addf %dot_general3A_11, %add3A_15 : vector<1000x256xf32>
    %max3A = arith.constant 0.000000e+00 : f32
    %max3A_17 = vector.broadcast %max3A : f32 to vector<1000x256xf32>
    %max3A_18 = arith.maximumf %add3A_16, %max3A_17 : vector<1000x256xf32>
    %get3A_19 = arith.constant 0 : index
    %get3A_20 = arith.constant 0 : index
    %get3A_21 = vector.load %arg6[%get3A_19, %get3A_20] : memref<256x256xf32, #tpu.memory_space<vmem>>, vector<256x256xf32>
    %dot_general3A_22 = arith.constant dense<0.000000e+00> : vector<1000x256xf32>
    %dot_general3A_23 = tpu.matmul %max3A_18, %get3A_21, %dot_general3A_22 {dimension_numbers = #tpu.dot_dimension_numbers<[1], [0], [0], [1], [0, 0, 1, 1], [], []>, transpose_lhs_hint = false} : vector<1000x256xf32>, vector<256x256xf32>, vector<1000x256xf32> -> vector<1000x256xf32>
    %get3A_24 = arith.constant 0 : index
    %get3A_25 = arith.constant 0 : index
    %get3A_26 = vector.load %arg7[%get3A_24, %get3A_25] : memref<1x256xf32, #tpu.memory_space<vmem>>, vector<1x256xf32>
    %add3A_27 = vector.broadcast %get3A_26 : vector<1x256xf32> to vector<1000x256xf32>
    %add3A_28 = arith.addf %dot_general3A_23, %add3A_27 : vector<1000x256xf32>
    %max3A_29 = arith.constant 0.000000e+00 : f32
    %max3A_30 = vector.broadcast %max3A_29 : f32 to vector<1000x256xf32>
    %max3A_31 = arith.maximumf %add3A_28, %max3A_30 : vector<1000x256xf32>
    %slice3A = vector.extract_strided_slice %max3A_31 {offsets = [0, 0], sizes = [1000, 128], strides = [1, 1]} : vector<1000x256xf32> to vector<1000x128xf32>
    %swap3A = arith.constant 0 : index
    %swap3A_32 = arith.constant 0 : index
    %swap3A_33 = vector.load %arg8[%swap3A, %swap3A_32] : memref<1000x128xf32, #tpu.memory_space<vmem>>, vector<1000x128xf32>
    tpu.vector_store %arg8[%swap3A, %swap3A_32], %slice3A {strides = array<i32>} : memref<1000x128xf32, #tpu.memory_space<vmem>>, vector<1000x128xf32>,
    %slice3A_34 = vector.extract_strided_slice %max3A_31 {offsets = [0, 128], sizes = [1000, 128], strides = [1, 1]} : vector<1000x256xf32> to vector<1000x128xf32>
    %swap3A_35 = arith.constant 0 : index
    %swap3A_36 = arith.constant 0 : index
    %swap3A_37 = vector.load %arg9[%swap3A_35, %swap3A_36] : memref<1000x128xf32, #tpu.memory_space<vmem>>, vector<1000x128xf32>
    tpu.vector_store %arg9[%swap3A_35, %swap3A_36], %slice3A_34 {strides = array<i32>} : memref<1000x128xf32, #tpu.memory_space<vmem>>, vector<1000x128xf32>,
    return
  }
  func.func @transform_0(%arg0: i32) -> (i32, i32) {
    %c0_i32 = arith.constant 0 : i32
    %c0_i32_0 = arith.constant 0 : i32
    return %arg0, %c0_i32 : i32, i32
  }
  func.func @transform_1(%arg0: i32) -> (i32, i32) {
    %c0_i32 = arith.constant 0 : i32
    %c0_i32_0 = arith.constant 0 : i32
    return %arg0, %c0_i32 : i32, i32
  }
  func.func @transform_2(%arg0: i32) -> (i32, i32) {
    %c0_i32 = arith.constant 0 : i32
    %c0_i32_0 = arith.constant 0 : i32
    return %arg0, %c0_i32 : i32, i32
  }
  func.func @transform_3(%arg0: i32) -> (i32, i32) {
    %c0_i32 = arith.constant 0 : i32
    %c0_i32_0 = arith.constant 0 : i32
    %c0_i32_1 = arith.constant 0 : i32
    return %c0_i32, %c0_i32_0 : i32, i32
  }
  func.func @transform_4(%arg0: i32) -> (i32, i32) {
    %c0_i32 = arith.constant 0 : i32
    %c0_i32_0 = arith.constant 0 : i32
    %c0_i32_1 = arith.constant 0 : i32
    return %c0_i32, %c0_i32_0 : i32, i32
  }
  func.func @transform_5(%arg0: i32) -> (i32, i32) {
    %c0_i32 = arith.constant 0 : i32
    %c0_i32_0 = arith.constant 0 : i32
    %c0_i32_1 = arith.constant 0 : i32
    return %c0_i32, %c0_i32_0 : i32, i32
  }
  func.func @transform_6(%arg0: i32) -> (i32, i32) {
    %c0_i32 = arith.constant 0 : i32
    %c0_i32_0 = arith.constant 0 : i32
    %c0_i32_1 = arith.constant 0 : i32
    return %c0_i32, %c0_i32_0 : i32, i32
  }
  func.func @transform_7(%arg0: i32) -> (i32, i32) {
    %c0_i32 = arith.constant 0 : i32
    %c0_i32_0 = arith.constant 0 : i32
    return %arg0, %c0_i32 : i32, i32
  }
  func.func @transform_8(%arg0: i32) -> (i32, i32) {
    %c0_i32 = arith.constant 0 : i32
    %c0_i32_0 = arith.constant 0 : i32
    return %arg0, %c0_i32 : i32, i32
  }
}

module attributes {stable_mosaic.version = 14 : i64} {
  func.func @_mlp2_body(%arg0: i32, %arg1: memref<1000x128xf32, #tpu.memory_space<vmem>>, %arg2: memref<1000x128xf32, #tpu.memory_space<vmem>>, %arg3: memref<1000x128xf32, #tpu.memory_space<vmem>>, %arg4: memref<1000x128xf32, #tpu.memory_space<vmem>>, %arg5: memref<256x256xf32, #tpu.memory_space<vmem>>, %arg6: memref<1x256xf32, #tpu.memory_space<vmem>>, %arg7: memref<256x256xf32, #tpu.memory_space<vmem>>, %arg8: memref<1x256xf32, #tpu.memory_space<vmem>>, %arg9: memref<256x256xf32, #tpu.memory_space<vmem>>, %arg10: memref<1x256xf32, #tpu.memory_space<vmem>>, %arg11: memref<1000x256xf32, #tpu.memory_space<vmem>>) attributes {dimension_semantics = [#tpu.dimension_semantics<arbitrary>], iteration_bounds = array<i64: 10>, scalar_prefetch = 0 : i64, scratch_operands = 0 : i64, tpu.core_type = #tpu.core_type<tc>, window_params = [{transform_indices = @transform_0, window_bounds = array<i64: 1000, 128>}, {transform_indices = @transform_1, window_bounds = array<i64: 1000, 128>}, {transform_indices = @transform_2, window_bounds = array<i64: 1000, 128>}, {transform_indices = @transform_3, window_bounds = array<i64: 1000, 128>}, {pipeline_mode = #tpu.pipeline_mode<synchronous>, transform_indices = @transform_4, window_bounds = array<i64: 256, 256>}, {pipeline_mode = #tpu.pipeline_mode<synchronous>, transform_indices = @transform_5, window_bounds = array<i64: 1, 256>}, {pipeline_mode = #tpu.pipeline_mode<synchronous>, transform_indices = @transform_6, window_bounds = array<i64: 256, 256>}, {pipeline_mode = #tpu.pipeline_mode<synchronous>, transform_indices = @transform_7, window_bounds = array<i64: 1, 256>}, {pipeline_mode = #tpu.pipeline_mode<synchronous>, transform_indices = @transform_8, window_bounds = array<i64: 256, 256>}, {pipeline_mode = #tpu.pipeline_mode<synchronous>, transform_indices = @transform_9, window_bounds = array<i64: 1, 256>}, {transform_indices = @transform_10, window_bounds = array<i64: 1000, 256>}]} {
    %get3A = arith.constant 0 : index
    %get3A_0 = arith.constant 0 : index
    %get3A_1 = vector.load %arg1[%get3A, %get3A_0] : memref<1000x128xf32, #tpu.memory_space<vmem>>, vector<1000x128xf32>
    %get3A_2 = arith.constant 0 : index
    %get3A_3 = arith.constant 0 : index
    %get3A_4 = vector.load %arg3[%get3A_2, %get3A_3] : memref<1000x128xf32, #tpu.memory_space<vmem>>, vector<1000x128xf32>
    %add3A = arith.addf %get3A_1, %get3A_4 : vector<1000x128xf32>
    %get3A_5 = arith.constant 0 : index
    %get3A_6 = arith.constant 0 : index
    %get3A_7 = vector.load %arg2[%get3A_5, %get3A_6] : memref<1000x128xf32, #tpu.memory_space<vmem>>, vector<1000x128xf32>
    %get3A_8 = arith.constant 0 : index
    %get3A_9 = arith.constant 0 : index
    %get3A_10 = vector.load %arg4[%get3A_8, %get3A_9] : memref<1000x128xf32, #tpu.memory_space<vmem>>, vector<1000x128xf32>
    %add3A_11 = arith.addf %get3A_7, %get3A_10 : vector<1000x128xf32>
    %concatenate3A = tpu.concatenate %add3A, %add3A_11 in 1 : vector<1000x128xf32>, vector<1000x128xf32> -> vector<1000x256xf32>
    %get3A_12 = arith.constant 0 : index
    %get3A_13 = arith.constant 0 : index
    %get3A_14 = vector.load %arg5[%get3A_12, %get3A_13] : memref<256x256xf32, #tpu.memory_space<vmem>>, vector<256x256xf32>
    %dot_general3A = arith.constant dense<0.000000e+00> : vector<1000x256xf32>
    %dot_general3A_15 = tpu.matmul %concatenate3A, %get3A_14, %dot_general3A {dimension_numbers = #tpu.dot_dimension_numbers<[1], [0], [0], [1], [0, 0, 1, 1], [], []>, transpose_lhs_hint = false} : vector<1000x256xf32>, vector<256x256xf32>, vector<1000x256xf32> -> vector<1000x256xf32>
    %get3A_16 = arith.constant 0 : index
    %get3A_17 = arith.constant 0 : index
    %get3A_18 = vector.load %arg6[%get3A_16, %get3A_17] : memref<1x256xf32, #tpu.memory_space<vmem>>, vector<1x256xf32>
    %add3A_19 = vector.broadcast %get3A_18 : vector<1x256xf32> to vector<1000x256xf32>
    %add3A_20 = arith.addf %dot_general3A_15, %add3A_19 : vector<1000x256xf32>
    %max3A = arith.constant 0.000000e+00 : f32
    %max3A_21 = vector.broadcast %max3A : f32 to vector<1000x256xf32>
    %max3A_22 = arith.maximumf %add3A_20, %max3A_21 : vector<1000x256xf32>
    %get3A_23 = arith.constant 0 : index
    %get3A_24 = arith.constant 0 : index
    %get3A_25 = vector.load %arg7[%get3A_23, %get3A_24] : memref<256x256xf32, #tpu.memory_space<vmem>>, vector<256x256xf32>
    %dot_general3A_26 = arith.constant dense<0.000000e+00> : vector<1000x256xf32>
    %dot_general3A_27 = tpu.matmul %max3A_22, %get3A_25, %dot_general3A_26 {dimension_numbers = #tpu.dot_dimension_numbers<[1], [0], [0], [1], [0, 0, 1, 1], [], []>, transpose_lhs_hint = false} : vector<1000x256xf32>, vector<256x256xf32>, vector<1000x256xf32> -> vector<1000x256xf32>
    %get3A_28 = arith.constant 0 : index
    %get3A_29 = arith.constant 0 : index
    %get3A_30 = vector.load %arg8[%get3A_28, %get3A_29] : memref<1x256xf32, #tpu.memory_space<vmem>>, vector<1x256xf32>
    %add3A_31 = vector.broadcast %get3A_30 : vector<1x256xf32> to vector<1000x256xf32>
    %add3A_32 = arith.addf %dot_general3A_27, %add3A_31 : vector<1000x256xf32>
    %max3A_33 = arith.constant 0.000000e+00 : f32
    %max3A_34 = vector.broadcast %max3A_33 : f32 to vector<1000x256xf32>
    %max3A_35 = arith.maximumf %add3A_32, %max3A_34 : vector<1000x256xf32>
    %get3A_36 = arith.constant 0 : index
    %get3A_37 = arith.constant 0 : index
    %get3A_38 = vector.load %arg9[%get3A_36, %get3A_37] : memref<256x256xf32, #tpu.memory_space<vmem>>, vector<256x256xf32>
    %dot_general3A_39 = arith.constant dense<0.000000e+00> : vector<1000x256xf32>
    %dot_general3A_40 = tpu.matmul %max3A_35, %get3A_38, %dot_general3A_39 {dimension_numbers = #tpu.dot_dimension_numbers<[1], [0], [0], [1], [0, 0, 1, 1], [], []>, transpose_lhs_hint = false} : vector<1000x256xf32>, vector<256x256xf32>, vector<1000x256xf32> -> vector<1000x256xf32>
    %get3A_41 = arith.constant 0 : index
    %get3A_42 = arith.constant 0 : index
    %get3A_43 = vector.load %arg10[%get3A_41, %get3A_42] : memref<1x256xf32, #tpu.memory_space<vmem>>, vector<1x256xf32>
    %add3A_44 = vector.broadcast %get3A_43 : vector<1x256xf32> to vector<1000x256xf32>
    %add3A_45 = arith.addf %dot_general3A_40, %add3A_44 : vector<1000x256xf32>
    %swap3A = arith.constant 0 : index
    %swap3A_46 = arith.constant 0 : index
    %swap3A_47 = vector.load %arg11[%swap3A, %swap3A_46] : memref<1000x256xf32, #tpu.memory_space<vmem>>, vector<1000x256xf32>
    tpu.vector_store %arg11[%swap3A, %swap3A_46], %add3A_45 {strides = array<i32>} : memref<1000x256xf32, #tpu.memory_space<vmem>>, vector<1000x256xf32>,
    return
  }
  func.func @transform_0(%arg0: i32) -> (i32, i32) {
    %c0_i32 = arith.constant 0 : i32
    %c0_i32_0 = arith.constant 0 : i32
    return %arg0, %c0_i32 : i32, i32
  }
  func.func @transform_1(%arg0: i32) -> (i32, i32) {
    %c0_i32 = arith.constant 0 : i32
    %c0_i32_0 = arith.constant 0 : i32
    return %arg0, %c0_i32 : i32, i32
  }
  func.func @transform_2(%arg0: i32) -> (i32, i32) {
    %c0_i32 = arith.constant 0 : i32
    %c0_i32_0 = arith.constant 0 : i32
    return %arg0, %c0_i32 : i32, i32
  }
  func.func @transform_3(%arg0: i32) -> (i32, i32) {
    %c0_i32 = arith.constant 0 : i32
    %c0_i32_0 = arith.constant 0 : i32
    return %arg0, %c0_i32 : i32, i32
  }
  func.func @transform_4(%arg0: i32) -> (i32, i32) {
    %c0_i32 = arith.constant 0 : i32
    %c0_i32_0 = arith.constant 0 : i32
    %c0_i32_1 = arith.constant 0 : i32
    return %c0_i32, %c0_i32_0 : i32, i32
  }
  func.func @transform_5(%arg0: i32) -> (i32, i32) {
    %c0_i32 = arith.constant 0 : i32
    %c0_i32_0 = arith.constant 0 : i32
    %c0_i32_1 = arith.constant 0 : i32
    return %c0_i32, %c0_i32_0 : i32, i32
  }
  func.func @transform_6(%arg0: i32) -> (i32, i32) {
    %c0_i32 = arith.constant 0 : i32
    %c0_i32_0 = arith.constant 0 : i32
    %c0_i32_1 = arith.constant 0 : i32
    return %c0_i32, %c0_i32_0 : i32, i32
  }
  func.func @transform_7(%arg0: i32) -> (i32, i32) {
    %c0_i32 = arith.constant 0 : i32
    %c0_i32_0 = arith.constant 0 : i32
    %c0_i32_1 = arith.constant 0 : i32
    return %c0_i32, %c0_i32_0 : i32, i32
  }
  func.func @transform_8(%arg0: i32) -> (i32, i32) {
    %c0_i32 = arith.constant 0 : i32
    %c0_i32_0 = arith.constant 0 : i32
    %c0_i32_1 = arith.constant 0 : i32
    return %c0_i32, %c0_i32_0 : i32, i32
  }
  func.func @transform_9(%arg0: i32) -> (i32, i32) {
    %c0_i32 = arith.constant 0 : i32
    %c0_i32_0 = arith.constant 0 : i32
    %c0_i32_1 = arith.constant 0 : i32
    return %c0_i32, %c0_i32_0 : i32, i32
  }
  func.func @transform_10(%arg0: i32) -> (i32, i32) {
    %c0_i32 = arith.constant 0 : i32
    %c0_i32_0 = arith.constant 0 : i32
    return %arg0, %c0_i32 : i32, i32
  }
}

</mosaic_0001>

<sc_bundles>
// kernel: kernel.6.cloned.1.call-start
scs
__scs_entry_jumppad:
0x0: {  	(pc) =	sbr.rel $0x88, $3  }
0x1: {  	(tag) =	ssettag $0x0;
	lr =	simm.s32 $0x1  }
0x2: {  	[smem:$0x3F95] =	sst lr;
	_ =	strace $0xD0000000  }
0x3: {  	_ = 	snop  }
0x4: {  	_ = 	snop  }
0x5: {  	_ = 	snop  }
0x6: {  	_ = 	snop  }
0x7: {  	_ = 	snop  }
__scs_overlays_trampoline_lowered:
0x8: {  	[smem:$0x3FA4] =	sst s0  }
0x9: {  	[smem:$0x3FA5] =	sst s1  }
0xa: {  	[smem:$0x3FA6] =	sst s2  }
0xb: {  	[smem:$0x3FA7] =	sst s3  }
0xc: {  	[smem:$0x3FA8] =	sst s4  }
0xd: {  	[smem:$0x3FA9] =	sst s5  }
0xe: {  	[smem:$0x3FAA] =	sst s6  }
0xf: {  	[smem:$0x3FAB] =	sst s7  }
0x10: {  	[smem:$0x3FAC] =	sst s8  }
0x11: {  	[smem:$0x3FAD] =	sst s9;
	s0 =	simm.s32 @!p0 $0x0  }
0x12: {  	s1 =	sld [smem:$0x3F93];
	s0 =	simm.s32 @p0 $0x1  }
0x13: {  	[smem:$0x3FAE] =	sst s0;
	s0 =	simm.s32 @!p1 $0x0  }
0x14: {  	s2 =	sld [smem:$0x3F92];
	s0 =	simm.s32 @p1 $0x1  }
0x15: {  	[smem:$0x3FAF] =	sst s0;
	s0 =	simm.s32 @!p2 $0x0  }
0x16: {  	s3 =	sld [smem:$0x3FDB];
	s0 =	simm.s32 @p2 $0x1  }
0x17: {  	s4 =	simm.s32 $0x1BF5;
	[smem:$0x3FB1] =	sst s0  }
0x18: {  	s0 =	sld [smem:$0x3F94];
	_ =	swait.ge [sflag:s4], $0x0  }
0x19: {  	s7 =	sld [smem:$0x3F95]  }
0x1a: {  	s8 =	sadd.s32 $0xFFFFE003, lr  }
0x1b: {  	s9 =	sadd.s32 $0xFFFFFEF7, lr;
	s5 =	simm.s32 $0xFFFFFFFF;
	p2 =	slt.u32 s8, $0xFFFFF086  }
0x1c: {  	p1 =	slt.u32 s9, $0xF7A;
	s5 =	simm.s32 @!p2 $0x0  }
0x1d: {  	s5 =	simm.s32 @p1 $0x1;
	p0 =	seq.s32 s7, s2  }
0x1e: {  	s7 =	smul.u32 @!p0 $0xF7A, s2;
	p2 =	seq.s32 @!p0 s5, $0x0  }
0x1f: {  	s9 =	smul.u32 $0xF7A, s1;
	s8 =	simm.s32 @!p0 $0x1BF5;
	p2 =	por !p2, p0  }
0x20: {  	[sflag:s8] =	ssyncset.s32 @!p0 $0xFFFFF086;
	s6 =	sadd.s32 @!p0 s3, s7;
	s7 =	simm.s32 @!p0 $0x108  }
0x21: {  	s3 =	sadd.s32 s3, s9;
	s6 =	sadd.s32 @!p0 $0x88, s6;
	s7 =	simm.s32 @p2 $0x1082  }
0x22: {  	[simem:s7], [sflag:s8] =	dma.local @!p0 [hbm:s6], $0xF7A  }
0x23: {  	s9 =	sor.u32 $0xD0000000, s2;
	s6 =	simm.s32 $0x108;
	_ =	swait.ge @!p0 [sflag:s8], $0x0  }
0x24: {  	s3 =	sadd.s32 $0x88, s3;
	s6 =	simm.s32 @!p1 $0x1082;
	[sflag:s4] =	ssyncset.s32 $0xFFFFF086  }
0x25: {  	[simem:s6], [sflag:s4] =	dma.local [hbm:s3], $0xF7A  }
0x26: {  	[smem:$0x3F95] =	sst s1;
	(tag) =	ssettag s2;
	_ =	strace s9  }
0x27: {  	s1 =	sld [smem:$0x3FA5]  }
0x28: {  	s2 =	sld [smem:$0x3FA6]  }
0x29: {  	s4 =	sld [smem:$0x3FA8]  }
0x2a: {  	p0 =	seq.s32 s5, $0x0;
	s5 =	sld [smem:$0x3FA9]  }
0x2b: {  	s6 =	sld [smem:$0x3FAA]  }
0x2c: {  	s7 =	sld [smem:$0x3FAB]  }
0x2d: {  	s3 =	simm.s32 $0x108;
	s8 =	sld [smem:$0x3FAC]  }
0x2e: {  	s3 =	simm.s32 @!p0 $0x1082;
	s9 =	sld [smem:$0x3FAD]  }
0x2f: {  	lr =	sadd.s32 s0, s3;
	s0 =	sld [smem:$0x3FA4]  }
0x30: {  	s3 =	sld [smem:$0x3FA7]  }
0x31: {  	[smem:$0x3FB0] =	sst s10  }
0x32: {  	s10 =	sld [smem:$0x3FAE];
	_ =	sdelay $0x3  }
0x33: {  	p0 =	seq.s32 s10, $0x1;
	s10 =	sld [smem:$0x3FB0];
	_ =	sdelay $0x3  }
0x34: {  	[smem:$0x3FB0] =	sst s10  }
0x35: {  	s10 =	sld [smem:$0x3FAF];
	_ =	sdelay $0x3  }
0x36: {  	p1 =	seq.s32 s10, $0x1;
	s10 =	sld [smem:$0x3FB0];
	_ =	sdelay $0x3  }
0x37: {  	[smem:$0x3FB0] =	sst s10  }
0x38: {  	s10 =	sld [smem:$0x3FB1]  }
0x39: {  	_ = 	snop;
	(pc) =	sbr.ind lr, $3  }
0x3a: {  	_ = 	snop  }
0x3b: {  	_ = 	snop  }
0x3c: {  	p2 =	seq.s32 s10, $0x1;
	s10 =	sld [smem:$0x3FB0]  }
0x3d: {  	_ =	shalt  }
0x3e: {  	_ =	shalt  }
0x3f: {  	_ =	shalt  }
0x40: {  	_ =	shalt  }
0x41: {  	_ =	shalt  }
0x42: {  	_ =	shalt  }
0x43: {  	_ =	shalt  }
0x44: {  	_ =	shalt  }
0x45: {  	_ =	shalt  }
0x46: {  	_ =	shalt  }
0x47: {  	_ =	shalt  }
0x48: {  	_ =	shalt  }
0x49: {  	_ =	shalt  }
0x4a: {  	_ =	shalt  }
0x4b: {  	_ =	shalt  }
0x4c: {  	_ =	shalt  }
0x4d: {  	_ =	shalt  }
0x4e: {  	_ =	shalt  }
0x4f: {  	_ =	shalt  }
0x50: {  	_ =	shalt  }
0x51: {  	_ =	shalt  }
0x52: {  	_ =	shalt  }
0x53: {  	_ =	shalt  }
0x54: {  	_ =	shalt  }
0x55: {  	_ =	shalt  }
0x56: {  	_ =	shalt  }
0x57: {  	_ =	shalt  }
0x58: {  	_ =	shalt  }
0x59: {  	_ =	shalt  }
0x5a: {  	_ =	shalt  }
0x5b: {  	_ =	shalt  }
0x5c: {  	_ =	shalt  }
0x5d: {  	_ =	shalt  }
0x5e: {  	_ =	shalt  }
0x5f: {  	_ =	shalt  }
0x60: {  	_ =	shalt  }
0x61: {  	_ =	shalt  }
0x62: {  	_ =	shalt  }
0x63: {  	_ =	shalt  }
0x64: {  	_ =	shalt  }
0x65: {  	_ =	shalt  }
0x66: {  	_ =	shalt  }
0x67: {  	_ =	shalt  }
0x68: {  	_ =	shalt  }
0x69: {  	_ =	shalt  }
0x6a: {  	_ =	shalt  }
0x6b: {  	_ =	shalt  }
0x6c: {  	_ =	shalt  }
0x6d: {  	_ =	shalt  }
0x6e: {  	_ =	shalt  }
0x6f: {  	_ =	shalt  }
0x70: {  	_ =	shalt  }
0x71: {  	_ =	shalt  }
0x72: {  	_ =	shalt  }
0x73: {  	_ =	shalt  }
0x74: {  	_ =	shalt  }
0x75: {  	_ =	shalt  }
0x76: {  	_ =	shalt  }
0x77: {  	_ =	shalt  }
0x78: {  	_ =	shalt  }
0x79: {  	_ =	shalt  }
0x7a: {  	_ =	shalt  }
0x7b: {  	_ =	shalt  }
0x7c: {  	_ =	shalt  }
0x7d: {  	_ =	shalt  }
0x7e: {  	_ =	shalt  }
0x7f: {  	_ =	shalt  }
0x80: {  	_ =	shalt  }
0x81: {  	_ =	shalt  }
0x82: {  	_ =	shalt  }
0x83: {  	_ =	shalt  }
0x84: {  	_ =	shalt  }
0x85: {  	_ =	shalt  }
0x86: {  	_ =	shalt  }
0x87: {  	_ =	shalt  }
.Lfunc_end0:
.L_simem_size_0:
called_computation_lowered:
.L_overlay_start_0:
0x88: {  	s2 =	sld [smem:$0x3FD9]  }
0x89: {  	s3 =	sld [smem:$0x3FFE];
	_ =	sdelay $0x1  }
0x8a: {  	s1 =	srdreg.scid  }
0x8b: {  	s0 =	sand.u32 $0x1, s1  }
0x8c: {  	s17 =	sshll.u32 s0, $0xA;
	s2 =	sadd.s32 s3, s2  }
0x8d: {  	s2 =	sadd.s32 s2, s17  }
0x8e: {  	[smem:$0x3FBC] =	sst s2  }
0x8f: {  	_ = 	snop  }
0x90: {  	s2 =	sld [smem:$0x3FD0];
	(tm) =	ssettm $0x1  }
0x91: {  	s18 =	sld [smem:$0x3FFB];
	_ =	sdelay $0x3  }
0x92: {  	_ =	strace s18  }
0x93: {  	s3 =	sld [smem:$0x3FFC];
	_ =	sdelay $0x3  }
0x94: {  	_ =	strace s3  }
0x95: {  	s3 =	sld [smem:$0x3FFD];
	_ =	sdelay $0x3  }
0x96: {  	_ =	strace s3  }
0x97: {  	_ =	strace $0x8FFFFFFF  }
0x98: {  	s19 =	sld [smem:$0x3FDB];
	_ =	sdelay $0x1  }
0x99: {  	s4 =	simm.s32 $_scs_section_size  }
0x9a: {  	s5 =	simm.s32 $_size__tile_overlayer_lowered;
	s6 =	simm.s32 $_tile_overlayer_lowered  }
0x9b: {  	s22 =	simm.s32 $0x1BFF;
	s21 =	sshll.u32 s6, $0x1;
	s3 =	sadd.s32 s4, s19  }
0x9c: {  	s7 =	simm.s32 $0x0;
	s20 =	sshll.u32 s5, $0x1;
	s5 =	sadd.s32 s21, s3  }
0x9d: {  	[timem:s7], [sflag:s22] =	dma.local [hbm:s5], s20  }
0x9e: {  	_ =	swait.ge [sflag:s22], s20  }
0x9f: {  	s4 =	ssub.s32 $0x0, s20;
	[sflag:s22] =	ssyncset.done $0x0  }
0xa0: {  	[sflag:s22] =	ssyncadd.s32 s4;
	_ =	sdelay $0x1  }
0xa1: {  	s23 =	simm.s32 $0x1B8B  }
0xa2: {  	_ =	swait.ge [sflag:s23], $0x1  }
0xa3: {  	[sflag:s23] =	ssyncset.done $0x0  }
0xa4: {  	s25 =	simm.s32 $0x1B8E;
	s24 =	sld [smem:$0x3FFE];
	[sflag:s23] =	ssyncadd.s32 $0xFFFFFFFF  }
0xa5: {  	s26 =	simm.s32 $execute0_lowered;
	[smem:$0x3FD2] =	sst s25  }
0xa6: {  	s5 =	sshll.u32 s26, $0x1;
	_ =	strace $0x80000046;
	[dreg:$0x1] =	wrdreg $0xFFFFFFFF  }
0xa7: {  	s28 =	simm.s32 $_size_execute0_lowered;
	s3 =	sadd.s32 s3, s5;
	[dreg:$0x0] =	wrdreg $0x0  }
0xa8: {  	s5 =	sshll.u32 s28, $0x1;
	[dreg:$0x2] =	wrdreg s3  }
0xa9: {  	[dreg:$0x3] =	wrdreg s5  }
0xaa: {  	[dreg:$0x4] =	wrdreg $0xC0  }
0xab: {  	_ =	task [dreg:s7], $0x5FFFF  }
0xac: {  	[dreg:$0x1] =	wrdreg $0xFFFFFFFF  }
0xad: {  	[dreg:$0x0] =	wrdreg $0x60  }
0xae: {  	[dreg:$0x2] =	wrdreg s24  }
0xaf: {  	[dreg:$0x3] =	wrdreg s2  }
0xb0: {  	[dreg:$0x4] =	wrdreg $0xA9000  }
0xb1: {  	[dreg:$0x5] =	wrdreg $0x9  }
0xb2: {  	_ =	task.clear_ibuf [dreg:s7], $0x6FFFF;
	_ =	strace $0x90000046  }
0xb3: {  	s29 =	simm.s32 $0x9;
	_ =	strace $0x80000048  }
0xb4: {  	_ =	swait.ge [sflag:s29], $0x1  }
0xb5: {  	[sflag:s29] =	ssyncadd.s32 $0xFFFFFFFF  }
0xb6: {  	_ =	strace $0x90000048  }
0xb7: {  	_ =	sfence  }
0xb8: {  	s30 =	sld [smem:$0x0];
	_ =	sdelay $0x2  }
0xb9: {  	s31 =	sshll.u32 s1, $0xD;
	s1 =	sshrl.u32 s1, $0x2  }
0xba: {  	s3 =	sand.u32 $0x4000, s31;
	s1 =	sadd.s32 s1, s30  }
0xbb: {  	s0 =	sor.u32 s3, s0;
	s1 =	sshll.u32 s1, $0x11  }
0xbc: {  	s0 =	sor.u32 s1, s0  }
0xbd: {  	s0 =	sadd.s32 $0x8F2B, s0  }
0xbe: {  	[sflag:s0] =	ssyncadd.remote.s32 $0x1  }
0xbf: {  	_ =	sfence.sel $0xFFFF  }
0xc0: {  	[dreg:$0x0] =	wrdreg $0xFFFFFFFF;
	(pc) =	sbr.abs _section_cstart, $3  }
0xc1: {  	[dreg:$0x1] =	wrdreg $0xFFFFFFFF  }
0xc2: {  	_ =	task.clear_ibuf [dreg:s7], $0x2FFFF;
	_ =	strace $0x9FFFFFFF  }
0xc3: {  	(tm) =	ssettm $0x7FFFFFFF  }
tec
execute0_lowered:
.L_overlay_start_1:
0x0: {  	(tag) =	ssettag $0x1  }
0x1: {  	s0 =	rddreg [dreg:$0x0]  }
0x2: {  	s2 =	rddreg [dreg:$0x2]  }
0x3: {  	s4 =	simm.s32 $0x0;
	s3 =	stileid.u32;
	s1 =	srdreg.scid  }
0x4: {  	s23 =	simm.s32 $0x3;
	s24 =	simm.s32 $0x2900;
	s28 =	simm.s32 $0x1  }
0x5: {  	s29 =	simm.s32 $0x2;
	[smem:$0x7FF] =	sst s4;
	s5 =	sadd.s32 $0x2A400, s0  }
0x6: {  	s6 =	smul.u32 $0x500, s3;
	s7 =	sadd.s32 $0x3200, s0;
	s8 =	sadd.s32 $0x56600, s0  }
0x7: {  	s1 =	sand.u32 $0x1, s1;
	s12 =	smul.u32 $0x50000, s3;
	s25 =	sadd.s32 $0x5B600, s0  }
0x8: {  	_ =	strace $0x80000047;
	s11 =	ssub.s32 $0x2, s1;
	[dreg:$0x4] =	wrdreg s25  }
0x9: {  	p0 =	seq.s32 s1, $0x1;
	s25 =	simm.s32 $0x80;
	s10 =	sadd.s32 s6, s0  }
0xa: {  	s0 =	sadd.s32 $0x5BE00, s0;
	s26 =	sshrl.u32 s11, $0x1;
	s30 =	sshrl.u32 s12, $0x2  }
0xb: {  	s12 =	sadd.s32 s8, s6;
	[dreg:$0x5] =	wrdreg s0;
	s0 =	ssub.s32 s11, s26  }
.Ltmp0:
0xc: {  	s11 =	stileid.u32;
	s31 =	sadd.s32 $0x51600, s10;
	(pc) =	sbr.rel .LBB2_1-.Ltmp0, $4  }
0xd: {  	s13 =	sadd.s32 s30, s2;
	s20 =	sadd.s32 $0x4F0, s12;
	s21 =	sadd.s32 $0x20, s12  }
0xe: {  	s26 =	simm.s32 $0x6900;
	[dreg:$0x6] =	wrdreg s31;
	s14 =	smul.u32 $0x2800, s11  }
0xf: {  	s15 =	smax.u32 s0, $0x1;
	s16 =	sadd.s32 $0x4000, s13;
	s17 =	sadd.s32 $0x8000, s13  }
0x10: {  	s18 =	sadd.s32 $0xC000, s13;
	s19 =	sadd.s32 $0x10000, s13;
	s0 =	simm.s32 $0x0  }
.LBB2_7:
0x11: {  	s3 =	sadd.s32 s30, s31;
	[sflag:s23] =	ssyncadd.s32 $0xFFFFC000  }
0x12: {  	[tilespmem:s25], [sflag:$0x3] =	stream.linear.gather [hbm4b:s3+s4], $0x80, $0x38;
	[tilespmem:$0x1E900] =	vst v63  }
0x13: {  	_ =	swait.ge [sflag:s23], $0x80  }
0x14: {  	[sflag:s23] =	ssyncset.done $0x0  }
0x15: {  	[sflag:s23] =	ssyncadd.s32 $0xFFFFFF80  }
0x16: {  	[tilespmem:s26], [sflag:$0x2] =	stream.indirect.gather [hbm4b:s7+s25], $0x80, s25, s25, $0xb8;
	[tilespmem:$0x1E900] =	vst v63  }
0x17: {  	_ =	swait.ge [sflag:s28], $0x4000  }
0x18: {  	[sflag:s28] =	ssyncset.done $0x0  }
0x19: {  	[sflag:s28] =	ssyncadd.s32 $0xFFFFC000  }
0x1a: {  	[spmem:s2] =	stream.indirect.scatter.add.f32 [tilespmem:s24], [sflag:$0x3], $0x80, s1, s25, $0xb8;
	[tilespmem:$0x1E900] =	vst v63  }
0x1b: {  	_ =	swait.ge [sflag:s23], $0x4000  }
0x1c: {  	[sflag:s23] =	ssyncset.done $0x0  }
0x1d: {  	s30 =	sadd.s32 s22, s21;
	[sflag:s23] =	ssyncadd.s32 $0xFFFFC000  }
0x1e: {  	[tilespmem:s4], [sflag:$0x3] =	stream.linear.gather [hbm4b:s30+s4], $0x80, $0x38;
	[tilespmem:$0x1E900] =	vst v63  }
0x1f: {  	_ =	swait.ge [sflag:s23], $0x80  }
0x20: {  	[sflag:s23] =	ssyncset.done $0x0  }
0x21: {  	[sflag:s23] =	ssyncadd.s32 $0xFFFFFF80  }
0x22: {  	[tilespmem:s24], [sflag:$0x1] =	stream.indirect.gather [hbm4b:s7+s25], $0x80, s4, s25, $0xb8;
	[tilespmem:$0x1E900] =	vst v63  }
0x23: {  	_ =	swait.ge [sflag:s29], $0x4000  }
0x24: {  	[sflag:s29] =	ssyncset.done $0x0  }
0x25: {  	s31 =	sadd.s32 $0x80, s1;
	[sflag:s29] =	ssyncadd.s32 $0xFFFFC000  }
0x26: {  	[spmem:s2] =	stream.indirect.scatter.add.f32 [tilespmem:s26], [sflag:$0x3], $0x80, s31, s25, $0xb8;
	[tilespmem:$0x1E900] =	vst v63  }
0x27: {  	_ =	swait.ge [sflag:s23], $0x4000  }
0x28: {  	s10 =	smov.u32 s7;
	[sflag:s23] =	ssyncset.done $0x0  }
0x29: {  	s11 =	stileid.u32;
	s1 =	rddreg [dreg:$0x5];
	[sflag:s23] =	ssyncadd.s32 $0xFFFFC000  }
.LBB2_8:
0x2a: {  	[tilespmem:s25], [sflag:$0x3] =	stream.linear.gather [hbm4b:s20+s4], $0x80, $0x38;
	[tilespmem:$0x1E900] =	vst v63  }
0x2b: {  	_ =	swait.ge [sflag:s23], $0x80  }
0x2c: {  	[sflag:s23] =	ssyncset.done $0x0  }
0x2d: {  	[sflag:s23] =	ssyncadd.s32 $0xFFFFFF80  }
0x2e: {  	[tilespmem:s26], [sflag:$0x2] =	stream.indirect.gather [hbm4b:s10+s25], $0x80, s25, s25, $0xb8;
	[tilespmem:$0x1E900] =	vst v63  }
0x2f: {  	_ =	swait.ge [sflag:s28], $0x4000  }
0x30: {  	[sflag:s28] =	ssyncset.done $0x0  }
0x31: {  	s3 =	simm.s32 $0x2800;
	[sflag:s28] =	ssyncadd.s32 $0xFFFFC000  }
0x32: {  	[spmem:s2] =	stream.indirect.scatter.add.f32 [tilespmem:s24], [sflag:$0x3], $0x80, s3, s25, $0xb8;
	[tilespmem:$0x1E900] =	vst v63  }
0x33: {  	_ =	swait.ge [sflag:s23], $0x4000  }
0x34: {  	[sflag:s23] =	ssyncset.done $0x0  }
0x35: {  	[sflag:s23] =	ssyncadd.s32 $0xFFFFC000  }
0x36: {  	_ =	swait.ge [sflag:s29], $0x4000  }
0x37: {  	[sflag:s29] =	ssyncset.done $0x0  }
0x38: {  	s30 =	simm.s32 $0x2880;
	[sflag:s29] =	ssyncadd.s32 $0xFFFFC000  }
0x39: {  	[spmem:s2] =	stream.indirect.scatter.add.f32 [tilespmem:s26], [sflag:$0x3], $0x80, s30, s25, $0xb8;
	[tilespmem:$0x1E900] =	vst v63  }
0x3a: {  	s1 =	sadd.s32 s1, s14;
	_ =	swait.ge [sflag:s23], $0x4000  }
0x3b: {  	s31 =	sshll.u32 s11, $0x6;
	s0 =	sadd.s32 $0x1, s0;
	[sflag:s23] =	ssyncset.done $0x0  }
0x3c: {  	s9 =	sshrl.u32 s13, $0x3;
	p1 =	sne.s32 s0, s15;
	[sflag:s23] =	ssyncadd.s32 $0xFFFFC000  }
.Ltmp1:
0x3d: {  	s3 =	sor.u32 $0x1C03, s31;
	[bflag:$0x0] =	sbarrier.arrive $0xFFFF;
	(pc) =	sbr.rel @!p1 .LBB2_9-.Ltmp1, $4  }
0x3e: {  	[hbm:s1], [sflag:s3] =	dma.local [spmem:s9], $0x2800  }
0x3f: {  	_ =	swait.ge [sflag:s23], $0x2800  }
0x40: {  	[sflag:s23] =	ssyncset.done $0x0  }
0x41: {  	[sflag:s23] =	ssyncadd.s32 $0xFFFFD800  }
.LBB2_1:
0x42: {  	s1 =	rddreg [dreg:$0x6];
	s3 =	simm.s32 $0x100  }
0x43: {  	[tilespmem:s3], [sflag:$0x3] =	stream.linear.gather [hbm4b:s1+s4], $0x2800, $0x38;
	[tilespmem:$0x1E900] =	vst v63  }
0x44: {  	_ =	swait.ge [sflag:s23], $0x2800  }
0x45: {  	[sflag:s23] =	ssyncset.done $0x0  }
.Ltmp2:
0x46: {  	s31 =	rddreg [dreg:$0x4];
	[sflag:s23] =	ssyncadd.s32 $0xFFFFD800;
	(pc) =	sbr.rel @!p0 .LBB2_2-.Ltmp2, $4  }
0x47: {  	[tilespmem:s24], [sflag:$0x3] =	stream.linear.gather [hbm4b:s31+s4], $0x4000, $0x38;
	[tilespmem:$0x1E900] =	vst v63  }
0x48: {  	_ =	swait.ge [sflag:s23], $0x4000  }
0x49: {  	[sflag:s23] =	ssyncset.done $0x0  }
0x4a: {  	[sflag:s23] =	ssyncadd.s32 $0xFFFFC000  }
0x4b: {  	[spmem:s13] =	stream.linear.scatter [tilespmem:s24], [sflag:$0x3], $0x4000, $0x38;
	[tilespmem:$0x1E900] =	vst v63  }
0x4c: {  	_ =	swait.ge [sflag:s23], $0x4000  }
0x4d: {  	[sflag:s23] =	ssyncset.done $0x0  }
0x4e: {  	[sflag:s23] =	ssyncadd.s32 $0xFFFFC000  }
0x4f: {  	[spmem:s16] =	stream.linear.scatter [tilespmem:s24], [sflag:$0x3], $0x4000, $0x38;
	[tilespmem:$0x1E900] =	vst v63  }
0x50: {  	_ =	swait.ge [sflag:s23], $0x4000  }
0x51: {  	[sflag:s23] =	ssyncset.done $0x0  }
0x52: {  	[sflag:s23] =	ssyncadd.s32 $0xFFFFC000  }
0x53: {  	[spmem:s17] =	stream.linear.scatter [tilespmem:s24], [sflag:$0x3], $0x4000, $0x38;
	[tilespmem:$0x1E900] =	vst v63  }
0x54: {  	_ =	swait.ge [sflag:s23], $0x4000  }
0x55: {  	[sflag:s23] =	ssyncset.done $0x0  }
0x56: {  	[sflag:s23] =	ssyncadd.s32 $0xFFFFC000  }
0x57: {  	[spmem:s18] =	stream.linear.scatter [tilespmem:s24], [sflag:$0x3], $0x4000, $0x38;
	[tilespmem:$0x1E900] =	vst v63  }
0x58: {  	_ =	swait.ge [sflag:s23], $0x4000  }
0x59: {  	[sflag:s23] =	ssyncset.done $0x0  }
0x5a: {  	[sflag:s23] =	ssyncadd.s32 $0xFFFFC000  }
0x5b: {  	[spmem:s19] =	stream.linear.scatter [tilespmem:s24], [sflag:$0x3], $0x4000, $0x38;
	[tilespmem:$0x1E900] =	vst v63  }
0x5c: {  	_ =	swait.ge [sflag:s23], $0x4000  }
0x5d: {  	[sflag:s23] =	ssyncset.done $0x0  }
0x5e: {  	[sflag:s23] =	ssyncadd.s32 $0xFFFFC000  }
0x5f: {  	s1 =	simm.s32 $0x0;
	[bflag:$0x0] =	sbarrier.arrive $0xFFFF  }
0x60: {  	[tilespmem:s1], [sflag:$0x3] =	stream.linear.gather [hbm4b:s12+s1], $0x80, $0x38;
	[tilespmem:$0x1E900] =	vst v63  }
0x61: {  	_ =	swait.ge [sflag:s23], $0x80  }
0x62: {  	[sflag:s23] =	ssyncset.done $0x0  }
0x63: {  	s22 =	simm.s32 $0x10;
	[sflag:s23] =	ssyncadd.s32 $0xFFFFFF80  }
0x64: {  	[tilespmem:s24], [sflag:$0x1] =	stream.indirect.gather [hbm4b:s7+s25], $0x80, s1, s25, $0xb8;
	[tilespmem:$0x1E900] =	vst v63  }
0x65: {  	s3 =	sadd.s32 $0x0, s6;
	s1 =	sand.u32 $0x70, s22  }
0x66: {  	s3 =	sand.u32 $0xFF80, s3;
	s1 =	sadd.s32 s8, s1  }
0x67: {  	s1 =	sadd.s32 s3, s1  }
0x68: {  	[tilespmem:s25], [sflag:$0x3] =	stream.linear.gather [hbm4b:s1+s4], $0x80, $0x38;
	[tilespmem:$0x1E900] =	vst v63  }
0x69: {  	_ =	swait.ge [sflag:s23], $0x80  }
0x6a: {  	[sflag:s23] =	ssyncset.done $0x0  }
0x6b: {  	[sflag:s23] =	ssyncadd.s32 $0xFFFFFF80  }
0x6c: {  	[tilespmem:s26], [sflag:$0x2] =	stream.indirect.gather [hbm4b:s7+s25], $0x80, s25, s25, $0xb8;
	[tilespmem:$0x1E900] =	vst v63  }
0x6d: {  	_ =	swait.ge [sflag:s28], $0x4000  }
0x6e: {  	[sflag:s28] =	ssyncset.done $0x0  }
0x6f: {  	s9 =	simm.s32 $0x100;
	[sflag:s28] =	ssyncadd.s32 $0xFFFFC000  }
0x70: {  	[spmem:s2] =	stream.indirect.scatter.add.f32 [tilespmem:s24], [sflag:$0x3], $0x80, s9, s25, $0xb8;
	[tilespmem:$0x1E900] =	vst v63  }
0x71: {  	_ =	swait.ge [sflag:s23], $0x4000  }
0x72: {  	[sflag:s23] =	ssyncset.done $0x0  }
0x73: {  	s10 =	sadd.s32 $0x0, s21;
	[sflag:s23] =	ssyncadd.s32 $0xFFFFC000  }
0x74: {  	[tilespmem:s4], [sflag:$0x3] =	stream.linear.gather [hbm4b:s10+s4], $0x80, $0x38;
	[tilespmem:$0x1E900] =	vst v63  }
0x75: {  	_ =	swait.ge [sflag:s23], $0x80  }
0x76: {  	[sflag:s23] =	ssyncset.done $0x0  }
0x77: {  	[sflag:s23] =	ssyncadd.s32 $0xFFFFFF80  }
0x78: {  	[tilespmem:s24], [sflag:$0x1] =	stream.indirect.gather [hbm4b:s7+s25], $0x80, s4, s25, $0xb8;
	[tilespmem:$0x1E900] =	vst v63  }
0x79: {  	s11 =	sadd.s32 $0x20, s6;
	_ =	swait.ge [sflag:s29], $0x4000  }
0x7a: {  	s30 =	sand.u32 $0xFF80, s11;
	s22 =	simm.s32 $0x20;
	[sflag:s29] =	ssyncset.done $0x0  }
0x7b: {  	s3 =	simm.s32 $0x30;
	s9 =	simm.s32 $0x180;
	[sflag:s29] =	ssyncadd.s32 $0xFFFFC000  }
0x7c: {  	[spmem:s2] =	stream.indirect.scatter.add.f32 [tilespmem:s26], [sflag:$0x3], $0x80, s9, s25, $0xb8;
	[tilespmem:$0x1E900] =	vst v63  }
0x7d: {  	s1 =	simm.s32 $0x200;
	s3 =	sand.u32 $0x70, s3;
	_ =	swait.ge [sflag:s23], $0x4000  }
0x7e: {  	s31 =	sadd.s32 s8, s3;
	s10 =	simm.s32 $0x40;
	[sflag:s23] =	ssyncset.done $0x0  }
.LBB2_6:
0x7f: {  	s3 =	sadd.s32 s30, s31;
	[sflag:s23] =	ssyncadd.s32 $0xFFFFC000  }
0x80: {  	s9 =	smov.u32 s10;
	s11 =	sadd.s32 $0x20, s10;
	s30 =	smov.u32 s1  }
0x81: {  	[tilespmem:s25], [sflag:$0x3] =	stream.linear.gather [hbm4b:s3+s4], $0x80, $0x38;
	[tilespmem:$0x1E900] =	vst v63  }
0x82: {  	p1 =	sne.s32 s10, $0x4C0;
	_ =	swait.ge [sflag:s23], $0x80  }
0x83: {  	[sflag:s23] =	ssyncset.done $0x0  }
0x84: {  	[sflag:s23] =	ssyncadd.s32 $0xFFFFFF80  }
0x85: {  	[tilespmem:s26], [sflag:$0x2] =	stream.indirect.gather [hbm4b:s7+s25], $0x80, s25, s25, $0xb8;
	[tilespmem:$0x1E900] =	vst v63  }
0x86: {  	_ =	swait.ge [sflag:s28], $0x4000  }
0x87: {  	[sflag:s28] =	ssyncset.done $0x0  }
0x88: {  	[sflag:s28] =	ssyncadd.s32 $0xFFFFC000  }
0x89: {  	[spmem:s2] =	stream.indirect.scatter.add.f32 [tilespmem:s24], [sflag:$0x3], $0x80, s1, s25, $0xb8;
	[tilespmem:$0x1E900] =	vst v63  }
0x8a: {  	_ =	swait.ge [sflag:s23], $0x4000  }
0x8b: {  	[sflag:s23] =	ssyncset.done $0x0  }
0x8c: {  	s3 =	sadd.s32 s22, s21;
	s22 =	smov.u32 s9;
	[sflag:s23] =	ssyncadd.s32 $0xFFFFC000  }
0x8d: {  	[tilespmem:s4], [sflag:$0x3] =	stream.linear.gather [hbm4b:s3+s4], $0x80, $0x38;
	[tilespmem:$0x1E900] =	vst v63  }
0x8e: {  	_ =	swait.ge [sflag:s23], $0x80  }
0x8f: {  	[sflag:s23] =	ssyncset.done $0x0  }
0x90: {  	[sflag:s23] =	ssyncadd.s32 $0xFFFFFF80  }
0x91: {  	[tilespmem:s24], [sflag:$0x1] =	stream.indirect.gather [hbm4b:s7+s25], $0x80, s4, s25, $0xb8;
	[tilespmem:$0x1E900] =	vst v63  }
0x92: {  	s9 =	sadd.s32 $0x80, s30;
	_ =	swait.ge [sflag:s29], $0x4000  }
.Ltmp3:
0x93: {  	s1 =	sadd.s32 $0x100, s1;
	[sflag:s29] =	ssyncset.done $0x0;
	(pc) =	sbr.rel @p1 .LBB2_6-.Ltmp3, $4  }
0x94: {  	s10 =	smov.u32 s11;
	s3 =	sadd.s32 $0x10, s22;
	[sflag:s29] =	ssyncadd.s32 $0xFFFFC000  }
0x95: {  	[spmem:s2] =	stream.indirect.scatter.add.f32 [tilespmem:s26], [sflag:$0x3], $0x80, s9, s25, $0xb8;
	[tilespmem:$0x1E900] =	vst v63  }
0x96: {  	s3 =	sand.u32 $0x70, s3;
	s9 =	sadd.s32 s22, s6;
	_ =	swait.ge [sflag:s23], $0x4000  }
0x97: {  	s31 =	sadd.s32 s8, s3;
	s30 =	sand.u32 $0xFF80, s9;
	[sflag:s23] =	ssyncset.done $0x0  }
.Ltmp4:
0x98: {  	_ = 	snop;
	(pc) =	sbr.rel .LBB2_7-.Ltmp4, $1  }
0x99: {  	_ =	sdelay $0x3  }
.LBB2_2:
0x9a: {  	[spmem:s13] =	stream.linear.scatter [tilespmem:s24], [sflag:$0x3], $0x4000, $0x38;
	[tilespmem:$0x1E900] =	vst v63  }
0x9b: {  	_ =	swait.ge [sflag:s23], $0x4000  }
0x9c: {  	[sflag:s23] =	ssyncset.done $0x0  }
0x9d: {  	[sflag:s23] =	ssyncadd.s32 $0xFFFFC000  }
0x9e: {  	[spmem:s16] =	stream.linear.scatter [tilespmem:s24], [sflag:$0x3], $0x4000, $0x38;
	[tilespmem:$0x1E900] =	vst v63  }
0x9f: {  	_ =	swait.ge [sflag:s23], $0x4000  }
0xa0: {  	[sflag:s23] =	ssyncset.done $0x0  }
0xa1: {  	[sflag:s23] =	ssyncadd.s32 $0xFFFFC000  }
0xa2: {  	[spmem:s17] =	stream.linear.scatter [tilespmem:s24], [sflag:$0x3], $0x4000, $0x38;
	[tilespmem:$0x1E900] =	vst v63  }
0xa3: {  	_ =	swait.ge [sflag:s23], $0x4000  }
0xa4: {  	[sflag:s23] =	ssyncset.done $0x0  }
0xa5: {  	[sflag:s23] =	ssyncadd.s32 $0xFFFFC000  }
0xa6: {  	[spmem:s18] =	stream.linear.scatter [tilespmem:s24], [sflag:$0x3], $0x4000, $0x38;
	[tilespmem:$0x1E900] =	vst v63  }
0xa7: {  	_ =	swait.ge [sflag:s23], $0x4000  }
0xa8: {  	[sflag:s23] =	ssyncset.done $0x0  }
0xa9: {  	[sflag:s23] =	ssyncadd.s32 $0xFFFFC000  }
0xaa: {  	[spmem:s19] =	stream.linear.scatter [tilespmem:s24], [sflag:$0x3], $0x4000, $0x38;
	[tilespmem:$0x1E900] =	vst v63  }
0xab: {  	_ =	swait.ge [sflag:s23], $0x4000  }
0xac: {  	[sflag:s23] =	ssyncset.done $0x0  }
0xad: {  	[sflag:s23] =	ssyncadd.s32 $0xFFFFC000  }
0xae: {  	s1 =	simm.s32 $0x0;
	[bflag:$0x0] =	sbarrier.arrive $0xFFFF  }
0xaf: {  	[tilespmem:s1], [sflag:$0x3] =	stream.linear.gather [hbm4b:s12+s1], $0x80, $0x38;
	[tilespmem:$0x1E900] =	vst v63  }
0xb0: {  	_ =	swait.ge [sflag:s23], $0x80  }
0xb1: {  	[sflag:s23] =	ssyncset.done $0x0  }
0xb2: {  	s9 =	simm.s32 $0x10;
	[sflag:s23] =	ssyncadd.s32 $0xFFFFFF80  }
0xb3: {  	[tilespmem:s24], [sflag:$0x1] =	stream.indirect.gather [hbm4b:s5+s25], $0x80, s1, s25, $0xb8;
	[tilespmem:$0x1E900] =	vst v63  }
0xb4: {  	s10 =	sadd.s32 $0x0, s6;
	s1 =	sand.u32 $0x70, s9  }
0xb5: {  	s10 =	sand.u32 $0xFF80, s10;
	s1 =	sadd.s32 s8, s1  }
0xb6: {  	s1 =	sadd.s32 s10, s1  }
0xb7: {  	[tilespmem:s25], [sflag:$0x3] =	stream.linear.gather [hbm4b:s1+s4], $0x80, $0x38;
	[tilespmem:$0x1E900] =	vst v63  }
0xb8: {  	_ =	swait.ge [sflag:s23], $0x80  }
0xb9: {  	[sflag:s23] =	ssyncset.done $0x0  }
0xba: {  	[sflag:s23] =	ssyncadd.s32 $0xFFFFFF80  }
0xbb: {  	[tilespmem:s26], [sflag:$0x2] =	stream.indirect.gather [hbm4b:s5+s25], $0x80, s25, s25, $0xb8;
	[tilespmem:$0x1E900] =	vst v63  }
0xbc: {  	_ =	swait.ge [sflag:s28], $0x4000  }
0xbd: {  	[sflag:s28] =	ssyncset.done $0x0  }
0xbe: {  	s10 =	simm.s32 $0x100;
	[sflag:s28] =	ssyncadd.s32 $0xFFFFC000  }
0xbf: {  	[spmem:s2] =	stream.indirect.scatter.add.f32 [tilespmem:s24], [sflag:$0x3], $0x80, s10, s25, $0xb8;
	[tilespmem:$0x1E900] =	vst v63  }
0xc0: {  	_ =	swait.ge [sflag:s23], $0x4000  }
0xc1: {  	[sflag:s23] =	ssyncset.done $0x0  }
0xc2: {  	s22 =	sadd.s32 $0x0, s21;
	[sflag:s23] =	ssyncadd.s32 $0xFFFFC000  }
0xc3: {  	[tilespmem:s4], [sflag:$0x3] =	stream.linear.gather [hbm4b:s22+s4], $0x80, $0x38;
	[tilespmem:$0x1E900] =	vst v63  }
0xc4: {  	_ =	swait.ge [sflag:s23], $0x80  }
0xc5: {  	[sflag:s23] =	ssyncset.done $0x0  }
0xc6: {  	[sflag:s23] =	ssyncadd.s32 $0xFFFFFF80  }
0xc7: {  	[tilespmem:s24], [sflag:$0x1] =	stream.indirect.gather [hbm4b:s5+s25], $0x80, s4, s25, $0xb8;
	[tilespmem:$0x1E900] =	vst v63  }
0xc8: {  	s30 =	simm.s32 $0x30;
	_ =	swait.ge [sflag:s29], $0x4000  }
0xc9: {  	s31 =	simm.s32 $0x180;
	s3 =	sand.u32 $0x70, s30;
	[sflag:s29] =	ssyncset.done $0x0  }
0xca: {  	s1 =	simm.s32 $0x200;
	s10 =	simm.s32 $0x40;
	[sflag:s29] =	ssyncadd.s32 $0xFFFFC000  }
0xcb: {  	[spmem:s2] =	stream.indirect.scatter.add.f32 [tilespmem:s26], [sflag:$0x3], $0x80, s31, s25, $0xb8;
	[tilespmem:$0x1E900] =	vst v63  }
0xcc: {  	s22 =	simm.s32 $0x20;
	s31 =	sadd.s32 $0x20, s6;
	_ =	swait.ge [sflag:s23], $0x4000  }
0xcd: {  	s30 =	sand.u32 $0xFF80, s31;
	s31 =	sadd.s32 s8, s3;
	[sflag:s23] =	ssyncset.done $0x0  }
.LBB2_3:
0xce: {  	s3 =	sadd.s32 s30, s31;
	[sflag:s23] =	ssyncadd.s32 $0xFFFFC000  }
0xcf: {  	s30 =	smov.u32 s10;
	s9 =	sadd.s32 $0x20, s10;
	s31 =	smov.u32 s1  }
0xd0: {  	[tilespmem:s25], [sflag:$0x3] =	stream.linear.gather [hbm4b:s3+s4], $0x80, $0x38;
	[tilespmem:$0x1E900] =	vst v63  }
0xd1: {  	p1 =	seq.s32 s10, $0x4C0;
	_ =	swait.ge [sflag:s23], $0x80  }
0xd2: {  	[sflag:s23] =	ssyncset.done $0x0  }
0xd3: {  	[sflag:s23] =	ssyncadd.s32 $0xFFFFFF80  }
0xd4: {  	[tilespmem:s26], [sflag:$0x2] =	stream.indirect.gather [hbm4b:s5+s25], $0x80, s25, s25, $0xb8;
	[tilespmem:$0x1E900] =	vst v63  }
0xd5: {  	_ =	swait.ge [sflag:s28], $0x4000  }
0xd6: {  	[sflag:s28] =	ssyncset.done $0x0  }
0xd7: {  	[sflag:s28] =	ssyncadd.s32 $0xFFFFC000  }
0xd8: {  	[spmem:s2] =	stream.indirect.scatter.add.f32 [tilespmem:s24], [sflag:$0x3], $0x80, s1, s25, $0xb8;
	[tilespmem:$0x1E900] =	vst v63  }
0xd9: {  	_ =	swait.ge [sflag:s23], $0x4000  }
0xda: {  	[sflag:s23] =	ssyncset.done $0x0  }
0xdb: {  	s3 =	sadd.s32 s22, s21;
	s22 =	smov.u32 s30;
	[sflag:s23] =	ssyncadd.s32 $0xFFFFC000  }
0xdc: {  	[tilespmem:s4], [sflag:$0x3] =	stream.linear.gather [hbm4b:s3+s4], $0x80, $0x38;
	[tilespmem:$0x1E900] =	vst v63  }
0xdd: {  	_ =	swait.ge [sflag:s23], $0x80  }
0xde: {  	[sflag:s23] =	ssyncset.done $0x0  }
0xdf: {  	[sflag:s23] =	ssyncadd.s32 $0xFFFFFF80  }
0xe0: {  	[tilespmem:s24], [sflag:$0x1] =	stream.indirect.gather [hbm4b:s5+s25], $0x80, s4, s25, $0xb8;
	[tilespmem:$0x1E900] =	vst v63  }
0xe1: {  	s1 =	sadd.s32 $0x100, s1;
	_ =	swait.ge [sflag:s29], $0x4000  }
.Ltmp5:
0xe2: {  	s3 =	sadd.s32 $0x10, s22;
	[sflag:s29] =	ssyncset.done $0x0;
	(pc) =	sbr.rel @!p1 .LBB2_3-.Ltmp5, $4  }
0xe3: {  	s10 =	sadd.s32 $0x80, s31;
	s3 =	sand.u32 $0x70, s3;
	[sflag:s29] =	ssyncadd.s32 $0xFFFFC000  }
0xe4: {  	[spmem:s2] =	stream.indirect.scatter.add.f32 [tilespmem:s26], [sflag:$0x3], $0x80, s10, s25, $0xb8;
	[tilespmem:$0x1E900] =	vst v63  }
0xe5: {  	s31 =	sadd.s32 s8, s3;
	s10 =	sadd.s32 s22, s6;
	_ =	swait.ge [sflag:s23], $0x4000  }
0xe6: {  	s30 =	sand.u32 $0xFF80, s10;
	s10 =	smov.u32 s9;
	[sflag:s23] =	ssyncset.done $0x0  }
0xe7: {  	s3 =	sadd.s32 s30, s31;
	[sflag:s23] =	ssyncadd.s32 $0xFFFFC000  }
0xe8: {  	[tilespmem:s25], [sflag:$0x3] =	stream.linear.gather [hbm4b:s3+s4], $0x80, $0x38;
	[tilespmem:$0x1E900] =	vst v63  }
0xe9: {  	_ =	swait.ge [sflag:s23], $0x80  }
0xea: {  	[sflag:s23] =	ssyncset.done $0x0  }
0xeb: {  	[sflag:s23] =	ssyncadd.s32 $0xFFFFFF80  }
0xec: {  	[tilespmem:s26], [sflag:$0x2] =	stream.indirect.gather [hbm4b:s5+s25], $0x80, s25, s25, $0xb8;
	[tilespmem:$0x1E900] =	vst v63  }
0xed: {  	_ =	swait.ge [sflag:s28], $0x4000  }
0xee: {  	[sflag:s28] =	ssyncset.done $0x0  }
0xef: {  	[sflag:s28] =	ssyncadd.s32 $0xFFFFC000  }
0xf0: {  	[spmem:s2] =	stream.indirect.scatter.add.f32 [tilespmem:s24], [sflag:$0x3], $0x80, s1, s25, $0xb8;
	[tilespmem:$0x1E900] =	vst v63  }
0xf1: {  	_ =	swait.ge [sflag:s23], $0x4000  }
0xf2: {  	[sflag:s23] =	ssyncset.done $0x0  }
0xf3: {  	s30 =	sadd.s32 s22, s21;
	[sflag:s23] =	ssyncadd.s32 $0xFFFFC000  }
0xf4: {  	[tilespmem:s4], [sflag:$0x3] =	stream.linear.gather [hbm4b:s30+s4], $0x80, $0x38;
	[tilespmem:$0x1E900] =	vst v63  }
0xf5: {  	_ =	swait.ge [sflag:s23], $0x80  }
0xf6: {  	[sflag:s23] =	ssyncset.done $0x0  }
0xf7: {  	[sflag:s23] =	ssyncadd.s32 $0xFFFFFF80  }
0xf8: {  	[tilespmem:s24], [sflag:$0x1] =	stream.indirect.gather [hbm4b:s5+s25], $0x80, s4, s25, $0xb8;
	[tilespmem:$0x1E900] =	vst v63  }
0xf9: {  	_ =	swait.ge [sflag:s29], $0x4000  }
0xfa: {  	[sflag:s29] =	ssyncset.done $0x0  }
0xfb: {  	s31 =	sadd.s32 $0x80, s1;
	[sflag:s29] =	ssyncadd.s32 $0xFFFFC000  }
0xfc: {  	[spmem:s2] =	stream.indirect.scatter.add.f32 [tilespmem:s26], [sflag:$0x3], $0x80, s31, s25, $0xb8;
	[tilespmem:$0x1E900] =	vst v63  }
.Ltmp6:
0xfd: {  	_ = 	snop;
	(pc) =	sbr.rel .LBB2_8-.Ltmp6, $4  }
0xfe: {  	_ =	swait.ge [sflag:s23], $0x4000  }
0xff: {  	[sflag:s23] =	ssyncset.done $0x0  }
0x100: {  	[sflag:s23] =	ssyncadd.s32 $0xFFFFC000  }
0x101: {  	s10 =	smov.u32 s5;
	s1 =	rddreg [dreg:$0x1]  }
.LBB2_9:
0x102: {  	_ =	sfence.sel $0x180000  }
0x103: {  	[bflag:$0x0] =	sbarrier.arrive $0xFFFF  }
0x104: {  	_ =	strace $0x90000047  }
0x105: {  	[bflag:$0x2] =	sbarrier.arrive $0xFFFF  }
0x106: {  	p0 =	sne.s32 s11, $0x0;
	s0 =	rddreg [dreg:$0x3]  }
0x107: {  	s0 =	sadd.s32 @!p0 $0x100000, s0  }
0x108: {  	[sflag:s0] =	ssyncadd.tile.s32 @!p0 $0x1;
	_ =	shalt  }
.Lfunc_end2:
_tile_overlayer_lowered:
.L_overlay_start_2:
0x109: {  	(tag) =	ssettag $0x2  }
0x10a: {  	s0 =	rddreg [dreg:$0x0];
	s2 =	stileid.u32  }
0x10b: {  	s1 =	rddreg [dreg:$0x1];
	p0 =	sne.s32 s2, $0x0  }
0x10c: {  	s3 =	rddreg [dreg:$0x2];
	[bflag:$0x3] =	sbarrier.arrive $0xFFFF;
	s2 =	simm.s32 @!p0 $0x1C03  }
0x10d: {  	[timem:s3], [sflag:s2] =	dma.local @!p0 [hbm:s0], s1  }
0x10e: {  	s0 =	simm.s32 @!p0 $0x3  }
0x10f: {  	_ =	swait.ge @!p0 [sflag:s0], s1  }
0x110: {  	s1 =	ssub.s32 @!p0 $0x0, s1;
	[sflag:s0] =	ssyncset.done @!p0 $0x0  }
0x111: {  	[sflag:s0] =	ssyncadd.s32 @!p0 s1  }
0x112: {  	[bflag:$0x3] =	sbarrier.arrive $0xFFFF  }
0x113: {  	_ =	shalt  }

// kernel: kernel.9.cloned.1.call-start
scs
__scs_entry_jumppad:
0x0: {  	(pc) =	sbr.rel $0x88, $3  }
0x1: {  	(tag) =	ssettag $0x0;
	lr =	simm.s32 $0x1  }
0x2: {  	[smem:$0x3F95] =	sst lr;
	_ =	strace $0xD0000000  }
0x3: {  	_ = 	snop  }
0x4: {  	_ = 	snop  }
0x5: {  	_ = 	snop  }
0x6: {  	_ = 	snop  }
0x7: {  	_ = 	snop  }
__scs_overlays_trampoline_lowered:
0x8: {  	[smem:$0x3FA4] =	sst s0  }
0x9: {  	[smem:$0x3FA5] =	sst s1  }
0xa: {  	[smem:$0x3FA6] =	sst s2  }
0xb: {  	[smem:$0x3FA7] =	sst s3  }
0xc: {  	[smem:$0x3FA8] =	sst s4  }
0xd: {  	[smem:$0x3FA9] =	sst s5  }
0xe: {  	[smem:$0x3FAA] =	sst s6  }
0xf: {  	[smem:$0x3FAB] =	sst s7  }
0x10: {  	[smem:$0x3FAC] =	sst s8  }
0x11: {  	[smem:$0x3FAD] =	sst s9;
	s0 =	simm.s32 @!p0 $0x0  }
0x12: {  	s1 =	sld [smem:$0x3F93];
	s0 =	simm.s32 @p0 $0x1  }
0x13: {  	[smem:$0x3FAE] =	sst s0;
	s0 =	simm.s32 @!p1 $0x0  }
0x14: {  	s2 =	sld [smem:$0x3F92];
	s0 =	simm.s32 @p1 $0x1  }
0x15: {  	[smem:$0x3FAF] =	sst s0;
	s0 =	simm.s32 @!p2 $0x0  }
0x16: {  	s3 =	sld [smem:$0x3FDB];
	s0 =	simm.s32 @p2 $0x1  }
0x17: {  	s4 =	simm.s32 $0x1BF5;
	[smem:$0x3FB1] =	sst s0  }
0x18: {  	s0 =	sld [smem:$0x3F94];
	_ =	swait.ge [sflag:s4], $0x0  }
0x19: {  	s7 =	sld [smem:$0x3F95]  }
0x1a: {  	s8 =	sadd.s32 $0xFFFFE003, lr  }
0x1b: {  	s9 =	sadd.s32 $0xFFFFFEF7, lr;
	s5 =	simm.s32 $0xFFFFFFFF;
	p2 =	slt.u32 s8, $0xFFFFF086  }
0x1c: {  	p1 =	slt.u32 s9, $0xF7A;
	s5 =	simm.s32 @!p2 $0x0  }
0x1d: {  	s5 =	simm.s32 @p1 $0x1;
	p0 =	seq.s32 s7, s2  }
0x1e: {  	s7 =	smul.u32 @!p0 $0xF7A, s2;
	p2 =	seq.s32 @!p0 s5, $0x0  }
0x1f: {  	s9 =	smul.u32 $0xF7A, s1;
	s8 =	simm.s32 @!p0 $0x1BF5;
	p2 =	por !p2, p0  }
0x20: {  	[sflag:s8] =	ssyncset.s32 @!p0 $0xFFFFF086;
	s6 =	sadd.s32 @!p0 s3, s7;
	s7 =	simm.s32 @!p0 $0x108  }
0x21: {  	s3 =	sadd.s32 s3, s9;
	s6 =	sadd.s32 @!p0 $0x88, s6;
	s7 =	simm.s32 @p2 $0x1082  }
0x22: {  	[simem:s7], [sflag:s8] =	dma.local @!p0 [hbm:s6], $0xF7A  }
0x23: {  	s9 =	sor.u32 $0xD0000000, s2;
	s6 =	simm.s32 $0x108;
	_ =	swait.ge @!p0 [sflag:s8], $0x0  }
0x24: {  	s3 =	sadd.s32 $0x88, s3;
	s6 =	simm.s32 @!p1 $0x1082;
	[sflag:s4] =	ssyncset.s32 $0xFFFFF086  }
0x25: {  	[simem:s6], [sflag:s4] =	dma.local [hbm:s3], $0xF7A  }
0x26: {  	[smem:$0x3F95] =	sst s1;
	(tag) =	ssettag s2;
	_ =	strace s9  }
0x27: {  	s1 =	sld [smem:$0x3FA5]  }
0x28: {  	s2 =	sld [smem:$0x3FA6]  }
0x29: {  	s4 =	sld [smem:$0x3FA8]  }
0x2a: {  	p0 =	seq.s32 s5, $0x0;
	s5 =	sld [smem:$0x3FA9]  }
0x2b: {  	s6 =	sld [smem:$0x3FAA]  }
0x2c: {  	s7 =	sld [smem:$0x3FAB]  }
0x2d: {  	s3 =	simm.s32 $0x108;
	s8 =	sld [smem:$0x3FAC]  }
0x2e: {  	s3 =	simm.s32 @!p0 $0x1082;
	s9 =	sld [smem:$0x3FAD]  }
0x2f: {  	lr =	sadd.s32 s0, s3;
	s0 =	sld [smem:$0x3FA4]  }
0x30: {  	s3 =	sld [smem:$0x3FA7]  }
0x31: {  	[smem:$0x3FB0] =	sst s10  }
0x32: {  	s10 =	sld [smem:$0x3FAE];
	_ =	sdelay $0x3  }
0x33: {  	p0 =	seq.s32 s10, $0x1;
	s10 =	sld [smem:$0x3FB0];
	_ =	sdelay $0x3  }
0x34: {  	[smem:$0x3FB0] =	sst s10  }
0x35: {  	s10 =	sld [smem:$0x3FAF];
	_ =	sdelay $0x3  }
0x36: {  	p1 =	seq.s32 s10, $0x1;
	s10 =	sld [smem:$0x3FB0];
	_ =	sdelay $0x3  }
0x37: {  	[smem:$0x3FB0] =	sst s10  }
0x38: {  	s10 =	sld [smem:$0x3FB1]  }
0x39: {  	_ = 	snop;
	(pc) =	sbr.ind lr, $3  }
0x3a: {  	_ = 	snop  }
0x3b: {  	_ = 	snop  }
0x3c: {  	p2 =	seq.s32 s10, $0x1;
	s10 =	sld [smem:$0x3FB0]  }
0x3d: {  	_ =	shalt  }
0x3e: {  	_ =	shalt  }
0x3f: {  	_ =	shalt  }
0x40: {  	_ =	shalt  }
0x41: {  	_ =	shalt  }
0x42: {  	_ =	shalt  }
0x43: {  	_ =	shalt  }
0x44: {  	_ =	shalt  }
0x45: {  	_ =	shalt  }
0x46: {  	_ =	shalt  }
0x47: {  	_ =	shalt  }
0x48: {  	_ =	shalt  }
0x49: {  	_ =	shalt  }
0x4a: {  	_ =	shalt  }
0x4b: {  	_ =	shalt  }
0x4c: {  	_ =	shalt  }
0x4d: {  	_ =	shalt  }
0x4e: {  	_ =	shalt  }
0x4f: {  	_ =	shalt  }
0x50: {  	_ =	shalt  }
0x51: {  	_ =	shalt  }
0x52: {  	_ =	shalt  }
0x53: {  	_ =	shalt  }
0x54: {  	_ =	shalt  }
0x55: {  	_ =	shalt  }
0x56: {  	_ =	shalt  }
0x57: {  	_ =	shalt  }
0x58: {  	_ =	shalt  }
0x59: {  	_ =	shalt  }
0x5a: {  	_ =	shalt  }
0x5b: {  	_ =	shalt  }
0x5c: {  	_ =	shalt  }
0x5d: {  	_ =	shalt  }
0x5e: {  	_ =	shalt  }
0x5f: {  	_ =	shalt  }
0x60: {  	_ =	shalt  }
0x61: {  	_ =	shalt  }
0x62: {  	_ =	shalt  }
0x63: {  	_ =	shalt  }
0x64: {  	_ =	shalt  }
0x65: {  	_ =	shalt  }
0x66: {  	_ =	shalt  }
0x67: {  	_ =	shalt  }
0x68: {  	_ =	shalt  }
0x69: {  	_ =	shalt  }
0x6a: {  	_ =	shalt  }
0x6b: {  	_ =	shalt  }
0x6c: {  	_ =	shalt  }
0x6d: {  	_ =	shalt  }
0x6e: {  	_ =	shalt  }
0x6f: {  	_ =	shalt  }
0x70: {  	_ =	shalt  }
0x71: {  	_ =	shalt  }
0x72: {  	_ =	shalt  }
0x73: {  	_ =	shalt  }
0x74: {  	_ =	shalt  }
0x75: {  	_ =	shalt  }
0x76: {  	_ =	shalt  }
0x77: {  	_ =	shalt  }
0x78: {  	_ =	shalt  }
0x79: {  	_ =	shalt  }
0x7a: {  	_ =	shalt  }
0x7b: {  	_ =	shalt  }
0x7c: {  	_ =	shalt  }
0x7d: {  	_ =	shalt  }
0x7e: {  	_ =	shalt  }
0x7f: {  	_ =	shalt  }
0x80: {  	_ =	shalt  }
0x81: {  	_ =	shalt  }
0x82: {  	_ =	shalt  }
0x83: {  	_ =	shalt  }
0x84: {  	_ =	shalt  }
0x85: {  	_ =	shalt  }
0x86: {  	_ =	shalt  }
0x87: {  	_ =	shalt  }
.Lfunc_end0:
.L_simem_size_0:
called_computation.1_lowered:
.L_overlay_start_0:
0x88: {  	s2 =	sld [smem:$0x3FD9]  }
0x89: {  	s3 =	sld [smem:$0x3FFE];
	_ =	sdelay $0x1  }
0x8a: {  	s1 =	srdreg.scid  }
0x8b: {  	s0 =	sand.u32 $0x1, s1  }
0x8c: {  	s17 =	sshll.u32 s0, $0xA;
	s2 =	sadd.s32 s3, s2  }
0x8d: {  	s2 =	sadd.s32 s2, s17  }
0x8e: {  	[smem:$0x3FBC] =	sst s2  }
0x8f: {  	_ = 	snop  }
0x90: {  	s2 =	sld [smem:$0x3FD0];
	(tm) =	ssettm $0x1  }
0x91: {  	s18 =	sld [smem:$0x3FFB];
	_ =	sdelay $0x3  }
0x92: {  	_ =	strace s18  }
0x93: {  	s3 =	sld [smem:$0x3FFC];
	_ =	sdelay $0x3  }
0x94: {  	_ =	strace s3  }
0x95: {  	s3 =	sld [smem:$0x3FFD];
	_ =	sdelay $0x3  }
0x96: {  	_ =	strace s3  }
0x97: {  	_ =	strace $0x8FFFFFFF  }
0x98: {  	s19 =	sld [smem:$0x3FDB];
	_ =	sdelay $0x1  }
0x99: {  	s4 =	simm.s32 $_scs_section_size  }
0x9a: {  	s5 =	simm.s32 $_size__tile_overlayer_lowered;
	s6 =	simm.s32 $_tile_overlayer_lowered  }
0x9b: {  	s22 =	simm.s32 $0x1BFF;
	s21 =	sshll.u32 s6, $0x1;
	s3 =	sadd.s32 s4, s19  }
0x9c: {  	s7 =	simm.s32 $0x0;
	s20 =	sshll.u32 s5, $0x1;
	s5 =	sadd.s32 s21, s3  }
0x9d: {  	[timem:s7], [sflag:s22] =	dma.local [hbm:s5], s20  }
0x9e: {  	_ =	swait.ge [sflag:s22], s20  }
0x9f: {  	s4 =	ssub.s32 $0x0, s20;
	[sflag:s22] =	ssyncset.done $0x0  }
0xa0: {  	[sflag:s22] =	ssyncadd.s32 s4;
	_ =	sdelay $0x1  }
0xa1: {  	s23 =	simm.s32 $0x1B8B  }
0xa2: {  	_ =	swait.ge [sflag:s23], $0x1  }
0xa3: {  	[sflag:s23] =	ssyncset.done $0x0  }
0xa4: {  	s25 =	simm.s32 $0x1B8E;
	s24 =	sld [smem:$0x3FFE];
	[sflag:s23] =	ssyncadd.s32 $0xFFFFFFFF  }
0xa5: {  	s26 =	simm.s32 $execute0_lowered;
	[smem:$0x3FD2] =	sst s25  }
0xa6: {  	s5 =	sshll.u32 s26, $0x1;
	_ =	strace $0x80000049;
	[dreg:$0x1] =	wrdreg $0xFFFFFFFF  }
0xa7: {  	s28 =	simm.s32 $_size_execute0_lowered;
	s3 =	sadd.s32 s3, s5;
	[dreg:$0x0] =	wrdreg $0x0  }
0xa8: {  	s5 =	sshll.u32 s28, $0x1;
	[dreg:$0x2] =	wrdreg s3  }
0xa9: {  	[dreg:$0x3] =	wrdreg s5  }
0xaa: {  	[dreg:$0x4] =	wrdreg $0xC0  }
0xab: {  	_ =	task [dreg:s7], $0x5FFFF  }
0xac: {  	[dreg:$0x1] =	wrdreg $0xFFFFFFFF  }
0xad: {  	[dreg:$0x0] =	wrdreg $0x60  }
0xae: {  	[dreg:$0x2] =	wrdreg s24  }
0xaf: {  	[dreg:$0x3] =	wrdreg s2  }
0xb0: {  	[dreg:$0x4] =	wrdreg $0xA9000  }
0xb1: {  	[dreg:$0x5] =	wrdreg $0x9  }
0xb2: {  	_ =	task.clear_ibuf [dreg:s7], $0x6FFFF;
	_ =	strace $0x90000049  }
0xb3: {  	s29 =	simm.s32 $0x9;
	_ =	strace $0x8000004B  }
0xb4: {  	_ =	swait.ge [sflag:s29], $0x1  }
0xb5: {  	[sflag:s29] =	ssyncadd.s32 $0xFFFFFFFF  }
0xb6: {  	_ =	strace $0x9000004B  }
0xb7: {  	_ =	sfence  }
0xb8: {  	s30 =	sld [smem:$0x0];
	_ =	sdelay $0x2  }
0xb9: {  	s31 =	sshll.u32 s1, $0xD;
	s1 =	sshrl.u32 s1, $0x2  }
0xba: {  	s3 =	sand.u32 $0x4000, s31;
	s1 =	sadd.s32 s1, s30  }
0xbb: {  	s0 =	sor.u32 s3, s0;
	s1 =	sshll.u32 s1, $0x11  }
0xbc: {  	s0 =	sor.u32 s1, s0  }
0xbd: {  	s0 =	sadd.s32 $0x8F2B, s0  }
0xbe: {  	[sflag:s0] =	ssyncadd.remote.s32 $0x1  }
0xbf: {  	_ =	sfence.sel $0xFFFF  }
0xc0: {  	[dreg:$0x0] =	wrdreg $0xFFFFFFFF;
	(pc) =	sbr.abs _section_cstart, $3  }
0xc1: {  	[dreg:$0x1] =	wrdreg $0xFFFFFFFF  }
0xc2: {  	_ =	task.clear_ibuf [dreg:s7], $0x2FFFF;
	_ =	strace $0x9FFFFFFF  }
0xc3: {  	(tm) =	ssettm $0x7FFFFFFF  }
tec
execute0_lowered:
.L_overlay_start_1:
0x0: {  	(tag) =	ssettag $0x1  }
0x1: {  	s0 =	rddreg [dreg:$0x0]  }
0x2: {  	s2 =	rddreg [dreg:$0x2]  }
0x3: {  	s4 =	simm.s32 $0x0;
	s3 =	stileid.u32;
	s1 =	srdreg.scid  }
0x4: {  	s23 =	simm.s32 $0x3;
	s24 =	simm.s32 $0x2900;
	s28 =	simm.s32 $0x1  }
0x5: {  	s29 =	simm.s32 $0x2;
	[smem:$0x7FF] =	sst s4;
	s5 =	sadd.s32 $0x3200, s0  }
0x6: {  	s6 =	smul.u32 $0x500, s3;
	s7 =	sadd.s32 $0x2A400, s0;
	s8 =	sadd.s32 $0x56600, s0  }
0x7: {  	s1 =	sand.u32 $0x1, s1;
	s12 =	smul.u32 $0x50000, s3;
	s25 =	sadd.s32 $0x5B600, s0  }
0x8: {  	_ =	strace $0x8000004A;
	s11 =	ssub.s32 $0x2, s1;
	[dreg:$0x4] =	wrdreg s25  }
0x9: {  	p0 =	seq.s32 s1, $0x1;
	s25 =	simm.s32 $0x80;
	s10 =	sadd.s32 s6, s0  }
0xa: {  	s0 =	sadd.s32 $0x5BE00, s0;
	s26 =	sshrl.u32 s11, $0x1;
	s30 =	sshrl.u32 s12, $0x2  }
0xb: {  	s12 =	sadd.s32 s8, s6;
	[dreg:$0x5] =	wrdreg s0;
	s0 =	ssub.s32 s11, s26  }
.Ltmp0:
0xc: {  	s11 =	stileid.u32;
	s31 =	sadd.s32 $0x51600, s10;
	(pc) =	sbr.rel .LBB2_1-.Ltmp0, $4  }
0xd: {  	s13 =	sadd.s32 s30, s2;
	s20 =	sadd.s32 $0x4F0, s12;
	s21 =	sadd.s32 $0x20, s12  }
0xe: {  	s26 =	simm.s32 $0x6900;
	[dreg:$0x6] =	wrdreg s31;
	s14 =	smul.u32 $0x2800, s11  }
0xf: {  	s15 =	smax.u32 s0, $0x1;
	s16 =	sadd.s32 $0x4000, s13;
	s17 =	sadd.s32 $0x8000, s13  }
0x10: {  	s18 =	sadd.s32 $0xC000, s13;
	s19 =	sadd.s32 $0x10000, s13;
	s0 =	simm.s32 $0x0  }
.LBB2_7:
0x11: {  	s3 =	sadd.s32 s30, s31;
	[sflag:s23] =	ssyncadd.s32 $0xFFFFC000  }
0x12: {  	[tilespmem:s25], [sflag:$0x3] =	stream.linear.gather [hbm4b:s3+s4], $0x80, $0x38;
	[tilespmem:$0x1E900] =	vst v63  }
0x13: {  	_ =	swait.ge [sflag:s23], $0x80  }
0x14: {  	[sflag:s23] =	ssyncset.done $0x0  }
0x15: {  	[sflag:s23] =	ssyncadd.s32 $0xFFFFFF80  }
0x16: {  	[tilespmem:s26], [sflag:$0x2] =	stream.indirect.gather [hbm4b:s7+s25], $0x80, s25, s25, $0xb8;
	[tilespmem:$0x1E900] =	vst v63  }
0x17: {  	_ =	swait.ge [sflag:s28], $0x4000  }
0x18: {  	[sflag:s28] =	ssyncset.done $0x0  }
0x19: {  	[sflag:s28] =	ssyncadd.s32 $0xFFFFC000  }
0x1a: {  	[spmem:s2] =	stream.indirect.scatter.add.f32 [tilespmem:s24], [sflag:$0x3], $0x80, s1, s25, $0xb8;
	[tilespmem:$0x1E900] =	vst v63  }
0x1b: {  	_ =	swait.ge [sflag:s23], $0x4000  }
0x1c: {  	[sflag:s23] =	ssyncset.done $0x0  }
0x1d: {  	s30 =	sadd.s32 s22, s21;
	[sflag:s23] =	ssyncadd.s32 $0xFFFFC000  }
0x1e: {  	[tilespmem:s4], [sflag:$0x3] =	stream.linear.gather [hbm4b:s30+s4], $0x80, $0x38;
	[tilespmem:$0x1E900] =	vst v63  }
0x1f: {  	_ =	swait.ge [sflag:s23], $0x80  }
0x20: {  	[sflag:s23] =	ssyncset.done $0x0  }
0x21: {  	[sflag:s23] =	ssyncadd.s32 $0xFFFFFF80  }
0x22: {  	[tilespmem:s24], [sflag:$0x1] =	stream.indirect.gather [hbm4b:s7+s25], $0x80, s4, s25, $0xb8;
	[tilespmem:$0x1E900] =	vst v63  }
0x23: {  	_ =	swait.ge [sflag:s29], $0x4000  }
0x24: {  	[sflag:s29] =	ssyncset.done $0x0  }
0x25: {  	s31 =	sadd.s32 $0x80, s1;
	[sflag:s29] =	ssyncadd.s32 $0xFFFFC000  }
0x26: {  	[spmem:s2] =	stream.indirect.scatter.add.f32 [tilespmem:s26], [sflag:$0x3], $0x80, s31, s25, $0xb8;
	[tilespmem:$0x1E900] =	vst v63  }
0x27: {  	_ =	swait.ge [sflag:s23], $0x4000  }
0x28: {  	s10 =	smov.u32 s7;
	[sflag:s23] =	ssyncset.done $0x0  }
0x29: {  	s11 =	stileid.u32;
	s1 =	rddreg [dreg:$0x5];
	[sflag:s23] =	ssyncadd.s32 $0xFFFFC000  }
.LBB2_8:
0x2a: {  	[tilespmem:s25], [sflag:$0x3] =	stream.linear.gather [hbm4b:s20+s4], $0x80, $0x38;
	[tilespmem:$0x1E900] =	vst v63  }
0x2b: {  	_ =	swait.ge [sflag:s23], $0x80  }
0x2c: {  	[sflag:s23] =	ssyncset.done $0x0  }
0x2d: {  	[sflag:s23] =	ssyncadd.s32 $0xFFFFFF80  }
0x2e: {  	[tilespmem:s26], [sflag:$0x2] =	stream.indirect.gather [hbm4b:s10+s25], $0x80, s25, s25, $0xb8;
	[tilespmem:$0x1E900] =	vst v63  }
0x2f: {  	_ =	swait.ge [sflag:s28], $0x4000  }
0x30: {  	[sflag:s28] =	ssyncset.done $0x0  }
0x31: {  	s3 =	simm.s32 $0x2800;
	[sflag:s28] =	ssyncadd.s32 $0xFFFFC000  }
0x32: {  	[spmem:s2] =	stream.indirect.scatter.add.f32 [tilespmem:s24], [sflag:$0x3], $0x80, s3, s25, $0xb8;
	[tilespmem:$0x1E900] =	vst v63  }
0x33: {  	_ =	swait.ge [sflag:s23], $0x4000  }
0x34: {  	[sflag:s23] =	ssyncset.done $0x0  }
0x35: {  	[sflag:s23] =	ssyncadd.s32 $0xFFFFC000  }
0x36: {  	_ =	swait.ge [sflag:s29], $0x4000  }
0x37: {  	[sflag:s29] =	ssyncset.done $0x0  }
0x38: {  	s30 =	simm.s32 $0x2880;
	[sflag:s29] =	ssyncadd.s32 $0xFFFFC000  }
0x39: {  	[spmem:s2] =	stream.indirect.scatter.add.f32 [tilespmem:s26], [sflag:$0x3], $0x80, s30, s25, $0xb8;
	[tilespmem:$0x1E900] =	vst v63  }
0x3a: {  	s1 =	sadd.s32 s1, s14;
	_ =	swait.ge [sflag:s23], $0x4000  }
0x3b: {  	s31 =	sshll.u32 s11, $0x6;
	s0 =	sadd.s32 $0x1, s0;
	[sflag:s23] =	ssyncset.done $0x0  }
0x3c: {  	s9 =	sshrl.u32 s13, $0x3;
	p1 =	sne.s32 s0, s15;
	[sflag:s23] =	ssyncadd.s32 $0xFFFFC000  }
.Ltmp1:
0x3d: {  	s3 =	sor.u32 $0x1C03, s31;
	[bflag:$0x0] =	sbarrier.arrive $0xFFFF;
	(pc) =	sbr.rel @!p1 .LBB2_9-.Ltmp1, $4  }
0x3e: {  	[hbm:s1], [sflag:s3] =	dma.local [spmem:s9], $0x2800  }
0x3f: {  	_ =	swait.ge [sflag:s23], $0x2800  }
0x40: {  	[sflag:s23] =	ssyncset.done $0x0  }
0x41: {  	[sflag:s23] =	ssyncadd.s32 $0xFFFFD800  }
.LBB2_1:
0x42: {  	s1 =	rddreg [dreg:$0x6];
	s3 =	simm.s32 $0x100  }
0x43: {  	[tilespmem:s3], [sflag:$0x3] =	stream.linear.gather [hbm4b:s1+s4], $0x2800, $0x38;
	[tilespmem:$0x1E900] =	vst v63  }
0x44: {  	_ =	swait.ge [sflag:s23], $0x2800  }
0x45: {  	[sflag:s23] =	ssyncset.done $0x0  }
.Ltmp2:
0x46: {  	s31 =	rddreg [dreg:$0x4];
	[sflag:s23] =	ssyncadd.s32 $0xFFFFD800;
	(pc) =	sbr.rel @!p0 .LBB2_2-.Ltmp2, $4  }
0x47: {  	[tilespmem:s24], [sflag:$0x3] =	stream.linear.gather [hbm4b:s31+s4], $0x4000, $0x38;
	[tilespmem:$0x1E900] =	vst v63  }
0x48: {  	_ =	swait.ge [sflag:s23], $0x4000  }
0x49: {  	[sflag:s23] =	ssyncset.done $0x0  }
0x4a: {  	[sflag:s23] =	ssyncadd.s32 $0xFFFFC000  }
0x4b: {  	[spmem:s13] =	stream.linear.scatter [tilespmem:s24], [sflag:$0x3], $0x4000, $0x38;
	[tilespmem:$0x1E900] =	vst v63  }
0x4c: {  	_ =	swait.ge [sflag:s23], $0x4000  }
0x4d: {  	[sflag:s23] =	ssyncset.done $0x0  }
0x4e: {  	[sflag:s23] =	ssyncadd.s32 $0xFFFFC000  }
0x4f: {  	[spmem:s16] =	stream.linear.scatter [tilespmem:s24], [sflag:$0x3], $0x4000, $0x38;
	[tilespmem:$0x1E900] =	vst v63  }
0x50: {  	_ =	swait.ge [sflag:s23], $0x4000  }
0x51: {  	[sflag:s23] =	ssyncset.done $0x0  }
0x52: {  	[sflag:s23] =	ssyncadd.s32 $0xFFFFC000  }
0x53: {  	[spmem:s17] =	stream.linear.scatter [tilespmem:s24], [sflag:$0x3], $0x4000, $0x38;
	[tilespmem:$0x1E900] =	vst v63  }
0x54: {  	_ =	swait.ge [sflag:s23], $0x4000  }
0x55: {  	[sflag:s23] =	ssyncset.done $0x0  }
0x56: {  	[sflag:s23] =	ssyncadd.s32 $0xFFFFC000  }
0x57: {  	[spmem:s18] =	stream.linear.scatter [tilespmem:s24], [sflag:$0x3], $0x4000, $0x38;
	[tilespmem:$0x1E900] =	vst v63  }
0x58: {  	_ =	swait.ge [sflag:s23], $0x4000  }
0x59: {  	[sflag:s23] =	ssyncset.done $0x0  }
0x5a: {  	[sflag:s23] =	ssyncadd.s32 $0xFFFFC000  }
0x5b: {  	[spmem:s19] =	stream.linear.scatter [tilespmem:s24], [sflag:$0x3], $0x4000, $0x38;
	[tilespmem:$0x1E900] =	vst v63  }
0x5c: {  	_ =	swait.ge [sflag:s23], $0x4000  }
0x5d: {  	[sflag:s23] =	ssyncset.done $0x0  }
0x5e: {  	[sflag:s23] =	ssyncadd.s32 $0xFFFFC000  }
0x5f: {  	s1 =	simm.s32 $0x0;
	[bflag:$0x0] =	sbarrier.arrive $0xFFFF  }
0x60: {  	[tilespmem:s1], [sflag:$0x3] =	stream.linear.gather [hbm4b:s12+s1], $0x80, $0x38;
	[tilespmem:$0x1E900] =	vst v63  }
0x61: {  	_ =	swait.ge [sflag:s23], $0x80  }
0x62: {  	[sflag:s23] =	ssyncset.done $0x0  }
0x63: {  	s22 =	simm.s32 $0x10;
	[sflag:s23] =	ssyncadd.s32 $0xFFFFFF80  }
0x64: {  	[tilespmem:s24], [sflag:$0x1] =	stream.indirect.gather [hbm4b:s7+s25], $0x80, s1, s25, $0xb8;
	[tilespmem:$0x1E900] =	vst v63  }
0x65: {  	s3 =	sadd.s32 $0x0, s6;
	s1 =	sand.u32 $0x70, s22  }
0x66: {  	s3 =	sand.u32 $0xFF80, s3;
	s1 =	sadd.s32 s8, s1  }
0x67: {  	s1 =	sadd.s32 s3, s1  }
0x68: {  	[tilespmem:s25], [sflag:$0x3] =	stream.linear.gather [hbm4b:s1+s4], $0x80, $0x38;
	[tilespmem:$0x1E900] =	vst v63  }
0x69: {  	_ =	swait.ge [sflag:s23], $0x80  }
0x6a: {  	[sflag:s23] =	ssyncset.done $0x0  }
0x6b: {  	[sflag:s23] =	ssyncadd.s32 $0xFFFFFF80  }
0x6c: {  	[tilespmem:s26], [sflag:$0x2] =	stream.indirect.gather [hbm4b:s7+s25], $0x80, s25, s25, $0xb8;
	[tilespmem:$0x1E900] =	vst v63  }
0x6d: {  	_ =	swait.ge [sflag:s28], $0x4000  }
0x6e: {  	[sflag:s28] =	ssyncset.done $0x0  }
0x6f: {  	s9 =	simm.s32 $0x100;
	[sflag:s28] =	ssyncadd.s32 $0xFFFFC000  }
0x70: {  	[spmem:s2] =	stream.indirect.scatter.add.f32 [tilespmem:s24], [sflag:$0x3], $0x80, s9, s25, $0xb8;
	[tilespmem:$0x1E900] =	vst v63  }
0x71: {  	_ =	swait.ge [sflag:s23], $0x4000  }
0x72: {  	[sflag:s23] =	ssyncset.done $0x0  }
0x73: {  	s10 =	sadd.s32 $0x0, s21;
	[sflag:s23] =	ssyncadd.s32 $0xFFFFC000  }
0x74: {  	[tilespmem:s4], [sflag:$0x3] =	stream.linear.gather [hbm4b:s10+s4], $0x80, $0x38;
	[tilespmem:$0x1E900] =	vst v63  }
0x75: {  	_ =	swait.ge [sflag:s23], $0x80  }
0x76: {  	[sflag:s23] =	ssyncset.done $0x0  }
0x77: {  	[sflag:s23] =	ssyncadd.s32 $0xFFFFFF80  }
0x78: {  	[tilespmem:s24], [sflag:$0x1] =	stream.indirect.gather [hbm4b:s7+s25], $0x80, s4, s25, $0xb8;
	[tilespmem:$0x1E900] =	vst v63  }
0x79: {  	s11 =	sadd.s32 $0x20, s6;
	_ =	swait.ge [sflag:s29], $0x4000  }
0x7a: {  	s30 =	sand.u32 $0xFF80, s11;
	s22 =	simm.s32 $0x20;
	[sflag:s29] =	ssyncset.done $0x0  }
0x7b: {  	s3 =	simm.s32 $0x30;
	s9 =	simm.s32 $0x180;
	[sflag:s29] =	ssyncadd.s32 $0xFFFFC000  }
0x7c: {  	[spmem:s2] =	stream.indirect.scatter.add.f32 [tilespmem:s26], [sflag:$0x3], $0x80, s9, s25, $0xb8;
	[tilespmem:$0x1E900] =	vst v63  }
0x7d: {  	s1 =	simm.s32 $0x200;
	s3 =	sand.u32 $0x70, s3;
	_ =	swait.ge [sflag:s23], $0x4000  }
0x7e: {  	s31 =	sadd.s32 s8, s3;
	s10 =	simm.s32 $0x40;
	[sflag:s23] =	ssyncset.done $0x0  }
.LBB2_6:
0x7f: {  	s3 =	sadd.s32 s30, s31;
	[sflag:s23] =	ssyncadd.s32 $0xFFFFC000  }
0x80: {  	s9 =	smov.u32 s10;
	s11 =	sadd.s32 $0x20, s10;
	s30 =	smov.u32 s1  }
0x81: {  	[tilespmem:s25], [sflag:$0x3] =	stream.linear.gather [hbm4b:s3+s4], $0x80, $0x38;
	[tilespmem:$0x1E900] =	vst v63  }
0x82: {  	p1 =	sne.s32 s10, $0x4C0;
	_ =	swait.ge [sflag:s23], $0x80  }
0x83: {  	[sflag:s23] =	ssyncset.done $0x0  }
0x84: {  	[sflag:s23] =	ssyncadd.s32 $0xFFFFFF80  }
0x85: {  	[tilespmem:s26], [sflag:$0x2] =	stream.indirect.gather [hbm4b:s7+s25], $0x80, s25, s25, $0xb8;
	[tilespmem:$0x1E900] =	vst v63  }
0x86: {  	_ =	swait.ge [sflag:s28], $0x4000  }
0x87: {  	[sflag:s28] =	ssyncset.done $0x0  }
0x88: {  	[sflag:s28] =	ssyncadd.s32 $0xFFFFC000  }
0x89: {  	[spmem:s2] =	stream.indirect.scatter.add.f32 [tilespmem:s24], [sflag:$0x3], $0x80, s1, s25, $0xb8;
	[tilespmem:$0x1E900] =	vst v63  }
0x8a: {  	_ =	swait.ge [sflag:s23], $0x4000  }
0x8b: {  	[sflag:s23] =	ssyncset.done $0x0  }
0x8c: {  	s3 =	sadd.s32 s22, s21;
	s22 =	smov.u32 s9;
	[sflag:s23] =	ssyncadd.s32 $0xFFFFC000  }
0x8d: {  	[tilespmem:s4], [sflag:$0x3] =	stream.linear.gather [hbm4b:s3+s4], $0x80, $0x38;
	[tilespmem:$0x1E900] =	vst v63  }
0x8e: {  	_ =	swait.ge [sflag:s23], $0x80  }
0x8f: {  	[sflag:s23] =	ssyncset.done $0x0  }
0x90: {  	[sflag:s23] =	ssyncadd.s32 $0xFFFFFF80  }
0x91: {  	[tilespmem:s24], [sflag:$0x1] =	stream.indirect.gather [hbm4b:s7+s25], $0x80, s4, s25, $0xb8;
	[tilespmem:$0x1E900] =	vst v63  }
0x92: {  	s9 =	sadd.s32 $0x80, s30;
	_ =	swait.ge [sflag:s29], $0x4000  }
.Ltmp3:
0x93: {  	s1 =	sadd.s32 $0x100, s1;
	[sflag:s29] =	ssyncset.done $0x0;
	(pc) =	sbr.rel @p1 .LBB2_6-.Ltmp3, $4  }
0x94: {  	s10 =	smov.u32 s11;
	s3 =	sadd.s32 $0x10, s22;
	[sflag:s29] =	ssyncadd.s32 $0xFFFFC000  }
0x95: {  	[spmem:s2] =	stream.indirect.scatter.add.f32 [tilespmem:s26], [sflag:$0x3], $0x80, s9, s25, $0xb8;
	[tilespmem:$0x1E900] =	vst v63  }
0x96: {  	s3 =	sand.u32 $0x70, s3;
	s9 =	sadd.s32 s22, s6;
	_ =	swait.ge [sflag:s23], $0x4000  }
0x97: {  	s31 =	sadd.s32 s8, s3;
	s30 =	sand.u32 $0xFF80, s9;
	[sflag:s23] =	ssyncset.done $0x0  }
.Ltmp4:
0x98: {  	_ = 	snop;
	(pc) =	sbr.rel .LBB2_7-.Ltmp4, $1  }
0x99: {  	_ =	sdelay $0x3  }
.LBB2_2:
0x9a: {  	[spmem:s13] =	stream.linear.scatter [tilespmem:s24], [sflag:$0x3], $0x4000, $0x38;
	[tilespmem:$0x1E900] =	vst v63  }
0x9b: {  	_ =	swait.ge [sflag:s23], $0x4000  }
0x9c: {  	[sflag:s23] =	ssyncset.done $0x0  }
0x9d: {  	[sflag:s23] =	ssyncadd.s32 $0xFFFFC000  }
0x9e: {  	[spmem:s16] =	stream.linear.scatter [tilespmem:s24], [sflag:$0x3], $0x4000, $0x38;
	[tilespmem:$0x1E900] =	vst v63  }
0x9f: {  	_ =	swait.ge [sflag:s23], $0x4000  }
0xa0: {  	[sflag:s23] =	ssyncset.done $0x0  }
0xa1: {  	[sflag:s23] =	ssyncadd.s32 $0xFFFFC000  }
0xa2: {  	[spmem:s17] =	stream.linear.scatter [tilespmem:s24], [sflag:$0x3], $0x4000, $0x38;
	[tilespmem:$0x1E900] =	vst v63  }
0xa3: {  	_ =	swait.ge [sflag:s23], $0x4000  }
0xa4: {  	[sflag:s23] =	ssyncset.done $0x0  }
0xa5: {  	[sflag:s23] =	ssyncadd.s32 $0xFFFFC000  }
0xa6: {  	[spmem:s18] =	stream.linear.scatter [tilespmem:s24], [sflag:$0x3], $0x4000, $0x38;
	[tilespmem:$0x1E900] =	vst v63  }
0xa7: {  	_ =	swait.ge [sflag:s23], $0x4000  }
0xa8: {  	[sflag:s23] =	ssyncset.done $0x0  }
0xa9: {  	[sflag:s23] =	ssyncadd.s32 $0xFFFFC000  }
0xaa: {  	[spmem:s19] =	stream.linear.scatter [tilespmem:s24], [sflag:$0x3], $0x4000, $0x38;
	[tilespmem:$0x1E900] =	vst v63  }
0xab: {  	_ =	swait.ge [sflag:s23], $0x4000  }
0xac: {  	[sflag:s23] =	ssyncset.done $0x0  }
0xad: {  	[sflag:s23] =	ssyncadd.s32 $0xFFFFC000  }
0xae: {  	s1 =	simm.s32 $0x0;
	[bflag:$0x0] =	sbarrier.arrive $0xFFFF  }
0xaf: {  	[tilespmem:s1], [sflag:$0x3] =	stream.linear.gather [hbm4b:s12+s1], $0x80, $0x38;
	[tilespmem:$0x1E900] =	vst v63  }
0xb0: {  	_ =	swait.ge [sflag:s23], $0x80  }
0xb1: {  	[sflag:s23] =	ssyncset.done $0x0  }
0xb2: {  	s9 =	simm.s32 $0x10;
	[sflag:s23] =	ssyncadd.s32 $0xFFFFFF80  }
0xb3: {  	[tilespmem:s24], [sflag:$0x1] =	stream.indirect.gather [hbm4b:s5+s25], $0x80, s1, s25, $0xb8;
	[tilespmem:$0x1E900] =	vst v63  }
0xb4: {  	s10 =	sadd.s32 $0x0, s6;
	s1 =	sand.u32 $0x70, s9  }
0xb5: {  	s10 =	sand.u32 $0xFF80, s10;
	s1 =	sadd.s32 s8, s1  }
0xb6: {  	s1 =	sadd.s32 s10, s1  }
0xb7: {  	[tilespmem:s25], [sflag:$0x3] =	stream.linear.gather [hbm4b:s1+s4], $0x80, $0x38;
	[tilespmem:$0x1E900] =	vst v63  }
0xb8: {  	_ =	swait.ge [sflag:s23], $0x80  }
0xb9: {  	[sflag:s23] =	ssyncset.done $0x0  }
0xba: {  	[sflag:s23] =	ssyncadd.s32 $0xFFFFFF80  }
0xbb: {  	[tilespmem:s26], [sflag:$0x2] =	stream.indirect.gather [hbm4b:s5+s25], $0x80, s25, s25, $0xb8;
	[tilespmem:$0x1E900] =	vst v63  }
0xbc: {  	_ =	swait.ge [sflag:s28], $0x4000  }
0xbd: {  	[sflag:s28] =	ssyncset.done $0x0  }
0xbe: {  	s10 =	simm.s32 $0x100;
	[sflag:s28] =	ssyncadd.s32 $0xFFFFC000  }
0xbf: {  	[spmem:s2] =	stream.indirect.scatter.add.f32 [tilespmem:s24], [sflag:$0x3], $0x80, s10, s25, $0xb8;
	[tilespmem:$0x1E900] =	vst v63  }
0xc0: {  	_ =	swait.ge [sflag:s23], $0x4000  }
0xc1: {  	[sflag:s23] =	ssyncset.done $0x0  }
0xc2: {  	s22 =	sadd.s32 $0x0, s21;
	[sflag:s23] =	ssyncadd.s32 $0xFFFFC000  }
0xc3: {  	[tilespmem:s4], [sflag:$0x3] =	stream.linear.gather [hbm4b:s22+s4], $0x80, $0x38;
	[tilespmem:$0x1E900] =	vst v63  }
0xc4: {  	_ =	swait.ge [sflag:s23], $0x80  }
0xc5: {  	[sflag:s23] =	ssyncset.done $0x0  }
0xc6: {  	[sflag:s23] =	ssyncadd.s32 $0xFFFFFF80  }
0xc7: {  	[tilespmem:s24], [sflag:$0x1] =	stream.indirect.gather [hbm4b:s5+s25], $0x80, s4, s25, $0xb8;
	[tilespmem:$0x1E900] =	vst v63  }
0xc8: {  	s30 =	simm.s32 $0x30;
	_ =	swait.ge [sflag:s29], $0x4000  }
0xc9: {  	s31 =	simm.s32 $0x180;
	s3 =	sand.u32 $0x70, s30;
	[sflag:s29] =	ssyncset.done $0x0  }
0xca: {  	s1 =	simm.s32 $0x200;
	s10 =	simm.s32 $0x40;
	[sflag:s29] =	ssyncadd.s32 $0xFFFFC000  }
0xcb: {  	[spmem:s2] =	stream.indirect.scatter.add.f32 [tilespmem:s26], [sflag:$0x3], $0x80, s31, s25, $0xb8;
	[tilespmem:$0x1E900] =	vst v63  }
0xcc: {  	s22 =	simm.s32 $0x20;
	s31 =	sadd.s32 $0x20, s6;
	_ =	swait.ge [sflag:s23], $0x4000  }
0xcd: {  	s30 =	sand.u32 $0xFF80, s31;
	s31 =	sadd.s32 s8, s3;
	[sflag:s23] =	ssyncset.done $0x0  }
.LBB2_3:
0xce: {  	s3 =	sadd.s32 s30, s31;
	[sflag:s23] =	ssyncadd.s32 $0xFFFFC000  }
0xcf: {  	s30 =	smov.u32 s10;
	s9 =	sadd.s32 $0x20, s10;
	s31 =	smov.u32 s1  }
0xd0: {  	[tilespmem:s25], [sflag:$0x3] =	stream.linear.gather [hbm4b:s3+s4], $0x80, $0x38;
	[tilespmem:$0x1E900] =	vst v63  }
0xd1: {  	p1 =	seq.s32 s10, $0x4C0;
	_ =	swait.ge [sflag:s23], $0x80  }
0xd2: {  	[sflag:s23] =	ssyncset.done $0x0  }
0xd3: {  	[sflag:s23] =	ssyncadd.s32 $0xFFFFFF80  }
0xd4: {  	[tilespmem:s26], [sflag:$0x2] =	stream.indirect.gather [hbm4b:s5+s25], $0x80, s25, s25, $0xb8;
	[tilespmem:$0x1E900] =	vst v63  }
0xd5: {  	_ =	swait.ge [sflag:s28], $0x4000  }
0xd6: {  	[sflag:s28] =	ssyncset.done $0x0  }
0xd7: {  	[sflag:s28] =	ssyncadd.s32 $0xFFFFC000  }
0xd8: {  	[spmem:s2] =	stream.indirect.scatter.add.f32 [tilespmem:s24], [sflag:$0x3], $0x80, s1, s25, $0xb8;
	[tilespmem:$0x1E900] =	vst v63  }
0xd9: {  	_ =	swait.ge [sflag:s23], $0x4000  }
0xda: {  	[sflag:s23] =	ssyncset.done $0x0  }
0xdb: {  	s3 =	sadd.s32 s22, s21;
	s22 =	smov.u32 s30;
	[sflag:s23] =	ssyncadd.s32 $0xFFFFC000  }
0xdc: {  	[tilespmem:s4], [sflag:$0x3] =	stream.linear.gather [hbm4b:s3+s4], $0x80, $0x38;
	[tilespmem:$0x1E900] =	vst v63  }
0xdd: {  	_ =	swait.ge [sflag:s23], $0x80  }
0xde: {  	[sflag:s23] =	ssyncset.done $0x0  }
0xdf: {  	[sflag:s23] =	ssyncadd.s32 $0xFFFFFF80  }
0xe0: {  	[tilespmem:s24], [sflag:$0x1] =	stream.indirect.gather [hbm4b:s5+s25], $0x80, s4, s25, $0xb8;
	[tilespmem:$0x1E900] =	vst v63  }
0xe1: {  	s1 =	sadd.s32 $0x100, s1;
	_ =	swait.ge [sflag:s29], $0x4000  }
.Ltmp5:
0xe2: {  	s3 =	sadd.s32 $0x10, s22;
	[sflag:s29] =	ssyncset.done $0x0;
	(pc) =	sbr.rel @!p1 .LBB2_3-.Ltmp5, $4  }
0xe3: {  	s10 =	sadd.s32 $0x80, s31;
	s3 =	sand.u32 $0x70, s3;
	[sflag:s29] =	ssyncadd.s32 $0xFFFFC000  }
0xe4: {  	[spmem:s2] =	stream.indirect.scatter.add.f32 [tilespmem:s26], [sflag:$0x3], $0x80, s10, s25, $0xb8;
	[tilespmem:$0x1E900] =	vst v63  }
0xe5: {  	s31 =	sadd.s32 s8, s3;
	s10 =	sadd.s32 s22, s6;
	_ =	swait.ge [sflag:s23], $0x4000  }
0xe6: {  	s30 =	sand.u32 $0xFF80, s10;
	s10 =	smov.u32 s9;
	[sflag:s23] =	ssyncset.done $0x0  }
0xe7: {  	s3 =	sadd.s32 s30, s31;
	[sflag:s23] =	ssyncadd.s32 $0xFFFFC000  }
0xe8: {  	[tilespmem:s25], [sflag:$0x3] =	stream.linear.gather [hbm4b:s3+s4], $0x80, $0x38;
	[tilespmem:$0x1E900] =	vst v63  }
0xe9: {  	_ =	swait.ge [sflag:s23], $0x80  }
0xea: {  	[sflag:s23] =	ssyncset.done $0x0  }
0xeb: {  	[sflag:s23] =	ssyncadd.s32 $0xFFFFFF80  }
0xec: {  	[tilespmem:s26], [sflag:$0x2] =	stream.indirect.gather [hbm4b:s5+s25], $0x80, s25, s25, $0xb8;
	[tilespmem:$0x1E900] =	vst v63  }
0xed: {  	_ =	swait.ge [sflag:s28], $0x4000  }
0xee: {  	[sflag:s28] =	ssyncset.done $0x0  }
0xef: {  	[sflag:s28] =	ssyncadd.s32 $0xFFFFC000  }
0xf0: {  	[spmem:s2] =	stream.indirect.scatter.add.f32 [tilespmem:s24], [sflag:$0x3], $0x80, s1, s25, $0xb8;
	[tilespmem:$0x1E900] =	vst v63  }
0xf1: {  	_ =	swait.ge [sflag:s23], $0x4000  }
0xf2: {  	[sflag:s23] =	ssyncset.done $0x0  }
0xf3: {  	s30 =	sadd.s32 s22, s21;
	[sflag:s23] =	ssyncadd.s32 $0xFFFFC000  }
0xf4: {  	[tilespmem:s4], [sflag:$0x3] =	stream.linear.gather [hbm4b:s30+s4], $0x80, $0x38;
	[tilespmem:$0x1E900] =	vst v63  }
0xf5: {  	_ =	swait.ge [sflag:s23], $0x80  }
0xf6: {  	[sflag:s23] =	ssyncset.done $0x0  }
0xf7: {  	[sflag:s23] =	ssyncadd.s32 $0xFFFFFF80  }
0xf8: {  	[tilespmem:s24], [sflag:$0x1] =	stream.indirect.gather [hbm4b:s5+s25], $0x80, s4, s25, $0xb8;
	[tilespmem:$0x1E900] =	vst v63  }
0xf9: {  	_ =	swait.ge [sflag:s29], $0x4000  }
0xfa: {  	[sflag:s29] =	ssyncset.done $0x0  }
0xfb: {  	s31 =	sadd.s32 $0x80, s1;
	[sflag:s29] =	ssyncadd.s32 $0xFFFFC000  }
0xfc: {  	[spmem:s2] =	stream.indirect.scatter.add.f32 [tilespmem:s26], [sflag:$0x3], $0x80, s31, s25, $0xb8;
	[tilespmem:$0x1E900] =	vst v63  }
.Ltmp6:
0xfd: {  	_ = 	snop;
	(pc) =	sbr.rel .LBB2_8-.Ltmp6, $4  }
0xfe: {  	_ =	swait.ge [sflag:s23], $0x4000  }
0xff: {  	[sflag:s23] =	ssyncset.done $0x0  }
0x100: {  	[sflag:s23] =	ssyncadd.s32 $0xFFFFC000  }
0x101: {  	s10 =	smov.u32 s5;
	s1 =	rddreg [dreg:$0x1]  }
.LBB2_9:
0x102: {  	_ =	sfence.sel $0x180000  }
0x103: {  	[bflag:$0x0] =	sbarrier.arrive $0xFFFF  }
0x104: {  	_ =	strace $0x9000004A  }
0x105: {  	[bflag:$0x2] =	sbarrier.arrive $0xFFFF  }
0x106: {  	p0 =	sne.s32 s11, $0x0;
	s0 =	rddreg [dreg:$0x3]  }
0x107: {  	s0 =	sadd.s32 @!p0 $0x100000, s0  }
0x108: {  	[sflag:s0] =	ssyncadd.tile.s32 @!p0 $0x1;
	_ =	shalt  }
.Lfunc_end2:
_tile_overlayer_lowered:
.L_overlay_start_2:
0x109: {  	(tag) =	ssettag $0x2  }
0x10a: {  	s0 =	rddreg [dreg:$0x0];
	s2 =	stileid.u32  }
0x10b: {  	s1 =	rddreg [dreg:$0x1];
	p0 =	sne.s32 s2, $0x0  }
0x10c: {  	s3 =	rddreg [dreg:$0x2];
	[bflag:$0x3] =	sbarrier.arrive $0xFFFF;
	s2 =	simm.s32 @!p0 $0x1C03  }
0x10d: {  	[timem:s3], [sflag:s2] =	dma.local @!p0 [hbm:s0], s1  }
0x10e: {  	s0 =	simm.s32 @!p0 $0x3  }
0x10f: {  	_ =	swait.ge @!p0 [sflag:s0], s1  }
0x110: {  	s1 =	ssub.s32 @!p0 $0x0, s1;
	[sflag:s0] =	ssyncset.done @!p0 $0x0  }
0x111: {  	[sflag:s0] =	ssyncadd.s32 @!p0 s1  }
0x112: {  	[bflag:$0x3] =	sbarrier.arrive $0xFFFF  }
0x113: {  	_ =	shalt  }

</sc_bundles>
